<compile_context>
chip_gen: v7x
topology: tpu7x:2x2x1
jax: 0.10.2.dev20260603
libtpu: 0.0.44.dev20260713+nightly
codegen_flags: <defaults>
</compile_context>

<pallas_src>
import functools

import jax
import jax.numpy as jnp
from jax import lax
from jax.experimental import pallas as pl
from jax.experimental.pallas import tpu as pltpu
from jax.experimental.pallas import tpu_sc as plsc

B = 256
D = 2048
A = 8
O = 16
R = 2 ** A
L = 16
NC = 2
NS = 16
NW = NC * NS
DW = D // NW
XC = 16
PC = 8
NCH = DW // XC
GROUPS = B // L

_NET = (
    (0, 1), (2, 3), (4, 5), (6, 7),
    (0, 2), (1, 3), (4, 6), (5, 7),
    (1, 2), (5, 6),
    (0, 4), (1, 5), (2, 6), (3, 7),
    (2, 4), (3, 5),
    (1, 2), (3, 4), (5, 6),
)

_mesh = plsc.VectorSubcoreMesh(core_axis_name="c", subcore_axis_name="s")


@functools.partial(
    pl.kernel,
    out_type=jax.ShapeDtypeStruct((D * O, B), jnp.float32),
    mesh=_mesh,
    scratch_types=[
        pltpu.VMEM((XC * A, B), jnp.float32),
        pltpu.VMEM((PC, O, R), jnp.float32),
        pltpu.VMEM((PC * O, B), jnp.float32),
    ],
    compiler_params=pltpu.CompilerParams(needs_layout_passes=False),
)
def _hoa(x_hbm, p_hbm, out_hbm, x_v, p_v, o_v):
    wid = lax.axis_index("s") * NC + lax.axis_index("c")
    d0 = wid * DW
    low3 = jnp.full((L,), -8, jnp.int32)
    one = jnp.full((L,), 1, jnp.int32)

    def chunk_body(ci, carry):
        dc = d0 + ci * XC
        pltpu.sync_copy(x_hbm.at[pl.ds(dc * A, XC * A)], x_v)

        def half_body(h, carry):
            dp = dc + h * PC
            pltpu.sync_copy(p_hbm.at[pl.ds(dp, PC)], p_v)

            def d_body(ds_, carry):
                c0 = (h * PC + ds_) * A
                orow0 = ds_ * O
                prow = jnp.full((L,), ds_, jnp.int32)

                @plsc.parallel_loop(0, GROUPS, unroll=2)
                def g_body(g):
                    gb = g * L
                    ks = [
                        (plsc.bitcast(x_v[c0 + k, pl.ds(gb, L)], jnp.int32)
                         & low3) | k
                        for k in range(A)
                    ]
                    for (i, j) in _NET:
                        lo = jnp.minimum(ks[i], ks[j])
                        hi = jnp.maximum(ks[i], ks[j])
                        ks[i], ks[j] = lo, hi
                    vs = [plsc.bitcast(k_, jnp.float32) for k_ in ks]
                    ms = [one << (k_ & 7) for k_ in ks]
                    cs = [vs[0]] + [vs[k] - vs[k - 1] for k in range(1, A)]
                    ind = ms[A - 1]
                    rows = [None] * A
                    rows[A - 1] = ind
                    for k in range(A - 2, -1, -1):
                        ind = ind + ms[k]
                        rows[k] = ind
                    acc = [None] * O
                    for o in range(O):
                        osp = jnp.full((L,), o, jnp.int32)
                        for k in range(A):
                            g_ = plsc.load_gather(p_v, [prow, osp, rows[k]])
                            if k == 0:
                                acc[o] = cs[0] * g_
                            else:
                                acc[o] = acc[o] + cs[k] * g_
                    for o in range(O):
                        o_v[orow0 + o, pl.ds(gb, L)] = acc[o]

                return carry

            lax.fori_loop(0, PC, d_body, 0)
            pltpu.sync_copy(o_v, out_hbm.at[pl.ds(dp * O, PC * O)])
            return carry

        lax.fori_loop(0, 2, half_body, 0)
        return carry

    lax.fori_loop(0, NCH, chunk_body, 0)


def kernel(X, params):
    x_t = X.reshape(B, D * A).T
    p_t = params.transpose(0, 2, 1)
    out_t = _hoa(x_t, p_t)
    return out_t.reshape(D, O, B).transpose(2, 0, 1)

# --- scband reference (transcript-rebuilt; emitter-appended) ---
"""Pipeline reference for scband-high-order-activation-83502754168910 (READ-ONLY COPY).

The authoritative reference and input builder live on the scoring server;
editing this copy changes nothing except your own understanding.
"""

import jax, jax.numpy as jnp
import numpy as np

B = 256
D = 2048
ARITY = 8
OUT_DIM = 16


def setup_inputs(seed: int = 0) -> dict:
    key = jax.random.key(seed)
    k1, k2 = jax.random.split(key)
    X = jax.random.uniform(k1, (B, D, ARITY), dtype=jnp.float32)
    params = jax.random.normal(k2, (D, 2 ** ARITY, OUT_DIM), dtype=jnp.float32)
    return {"X": X, "params": params}


def reference(X, params):
    # Faithful translation of sparsemm_high_order_act.
    # Sort each arity-vector ascending (tf.argsort default ASCENDING).
    A_ind = jnp.argsort(X, axis=2)
    A_sort = jnp.take_along_axis(X, A_ind, axis=2)
    A_diff = A_sort[:, :, 1:] - A_sort[:, :, :-1]
    coef = jnp.concatenate([A_sort[:, :, 0:1], A_diff], axis=2)  # [B, D, arity]
    # ind[b,d,j] = sum_{k>=j} 2^{A_ind[b,d,k]}  (reverse cumsum of bit shifts)
    pow2 = jnp.left_shift(jnp.int32(1), A_ind.astype(jnp.int32))
    ind = jnp.flip(jnp.cumsum(jnp.flip(pow2, axis=2), axis=2), axis=2)  # [B, D, arity]
    # The TF code builds a sparse [B*D, D*2^arity] matrix with `coef` as values at
    # column (d * 2^arity + ind[b,d,j]) and multiplies by params reshaped to
    # [D*2^arity, out_dim]. That equals, per (b, d):
    #   out[b,d,:] = sum_j coef[b,d,j] * params[d, ind[b,d,j], :]
    d_idx = jnp.arange(X.shape[1])[None, :, None]  # [1, D, 1]
    gathered = params[d_idx, ind]  # [B, D, arity, out_dim]
    out = jnp.sum(coef[..., None] * gathered, axis=2)  # [B, D, out_dim]
    return out

if __name__ == "__main__":
    import jax
    _d = setup_inputs()
    print(jax.jit(kernel)(*tuple(_d.values())))

</pallas_src>

<mosaic_0001>
#map = affine_map<(d0, d1) -> (0, 0)>
#map1 = affine_map<(d0, d1) -> (0, 0, 0)>
module attributes {stable_mosaic.version = 14 : i64} {
  func.func @_hoa(%arg0: i32, %arg1: i32, %arg2: memref<16384x256xf32, #tpu.memory_space<hbm>>, %arg3: memref<2048x16x256xf32, #tpu.memory_space<hbm>>, %arg4: memref<32768x256xf32, #tpu.memory_space<hbm>>, %arg5: memref<128x256xf32, #tpu.memory_space<vmem>>, %arg6: memref<8x16x256xf32, #tpu.memory_space<vmem>>, %arg7: memref<128x256xf32, #tpu.memory_space<vmem>>) attributes {dimension_semantics = [#tpu.dimension_semantics<core_parallel>, #tpu.dimension_semantics<subcore_parallel>], iteration_bounds = array<i64: 2, 16>, scalar_prefetch = 0 : i64, scratch_operands = 3 : i64, tpu.core_type = #tpu.core_type<sc_vector_subcore>, window_params = [{transform_indices = #map}, {transform_indices = #map1}, {transform_indices = #map}]} {
    %mul3A = arith.constant 2 : i32
    %mul3A_0 = arith.muli %arg1, %mul3A : i32
    %add3A = arith.addi %mul3A_0, %arg0 : i32
    %mul3A_1 = arith.constant 64 : i32
    %mul3A_2 = arith.muli %add3A, %mul3A_1 : i32
    %broadcast_in_dim3A = arith.constant -8 : i32
    %broadcast_in_dim3A_3 = vector.broadcast %broadcast_in_dim3A : i32 to vector<16xi32>
    %broadcast_in_dim3A_4 = arith.constant 1 : i32
    %broadcast_in_dim3A_5 = vector.broadcast %broadcast_in_dim3A_4 : i32 to vector<16xi32>
    %scan3A = arith.constant 0 : i32
    %scan3A_6 = arith.constant 0 : i32
    %scan3A_7 = arith.constant 4 : i32
    %scan3A_8 = arith.addi %scan3A_6, %scan3A_7 : i32
    %scan3A_9 = arith.constant 1 : i32
    scf.for %scan3A_11 = %scan3A_6 to %scan3A_8 step %scan3A_9  : i32 {
      %mul3A_12 = arith.constant 16 : i32
      %mul3A_13 = arith.muli %scan3A_11, %mul3A_12 : i32
      %add3A_14 = arith.addi %mul3A_2, %mul3A_13 : i32
      %mul3A_15 = arith.constant 8 : i32
      %mul3A_16 = arith.muli %add3A_14, %mul3A_15 : i32
      "tpu.region"() ({
        %run_scoped3A = tpu.sem_alloc : memref<!tpu.dma_semaphore, #tpu.memory_space<semaphore_mem>>
        %dma_start3A = arith.constant 0 : i32
        %dma_start3A_23 = tpu.memref_slice %arg2[%mul3A_16, %dma_start3A] : memref<16384x256xf32, #tpu.memory_space<hbm>> -> memref<128x256xf32, #tpu.memory_space<hbm>>
        %dma_start3A_24 = arith.constant 0 : i32
        %dma_start3A_25 = tpu.memref_slice %arg2[%mul3A_16, %dma_start3A_24] : memref<16384x256xf32, #tpu.memory_space<hbm>> -> memref<128x256xf32, #tpu.memory_space<hbm>>
        tpu.enqueue_dma source(%dma_start3A_25 : memref<128x256xf32, #tpu.memory_space<hbm>>) target(%arg5 : memref<128x256xf32, #tpu.memory_space<vmem>>) target_semaphore(%run_scoped3A : memref<!tpu.dma_semaphore, #tpu.memory_space<semaphore_mem>>)
        %dma_wait3A = arith.constant 0 : i32
        %dma_wait3A_26 = tpu.memref_slice %arg2[%mul3A_16, %dma_wait3A] : memref<16384x256xf32, #tpu.memory_space<hbm>> -> memref<128x256xf32, #tpu.memory_space<hbm>>
        %dma_wait3A_27 = arith.constant 0 : i32
        %dma_wait3A_28 = tpu.memref_slice %arg2[%mul3A_16, %dma_wait3A_27] : memref<16384x256xf32, #tpu.memory_space<hbm>> -> memref<128x256xf32, #tpu.memory_space<hbm>>
        tpu.wait_dma2 semaphore(%run_scoped3A : memref<!tpu.dma_semaphore, #tpu.memory_space<semaphore_mem>>) src(%dma_wait3A_28 : memref<128x256xf32, #tpu.memory_space<hbm>>) dst(%arg5 : memref<128x256xf32, #tpu.memory_space<vmem>>)
        tpu.yield
      }) : () -> ()
      %scan3A_17 = arith.constant 0 : i32
      %scan3A_18 = arith.constant 0 : i32
      %scan3A_19 = arith.constant 2 : i32
      %scan3A_20 = arith.addi %scan3A_18, %scan3A_19 : i32
      %scan3A_21 = arith.constant 1 : i32
      scf.for %scan3A_23 = %scan3A_18 to %scan3A_20 step %scan3A_21  : i32 {
        %mul3A_24 = arith.constant 8 : i32
        %mul3A_25 = arith.muli %scan3A_23, %mul3A_24 : i32
        %add3A_26 = arith.addi %add3A_14, %mul3A_25 : i32
        "tpu.region"() ({
          %run_scoped3A = tpu.sem_alloc : memref<!tpu.dma_semaphore, #tpu.memory_space<semaphore_mem>>
          %dma_start3A = arith.constant 0 : i32
          %dma_start3A_35 = arith.constant 0 : i32
          %dma_start3A_36 = tpu.memref_slice %arg3[%add3A_26, %dma_start3A, %dma_start3A_35] : memref<2048x16x256xf32, #tpu.memory_space<hbm>> -> memref<8x16x256xf32, #tpu.memory_space<hbm>>
          %dma_start3A_37 = arith.constant 0 : i32
          %dma_start3A_38 = arith.constant 0 : i32
          %dma_start3A_39 = tpu.memref_slice %arg3[%add3A_26, %dma_start3A_37, %dma_start3A_38] : memref<2048x16x256xf32, #tpu.memory_space<hbm>> -> memref<8x16x256xf32, #tpu.memory_space<hbm>>
          tpu.enqueue_dma source(%dma_start3A_39 : memref<8x16x256xf32, #tpu.memory_space<hbm>>) target(%arg6 : memref<8x16x256xf32, #tpu.memory_space<vmem>>) target_semaphore(%run_scoped3A : memref<!tpu.dma_semaphore, #tpu.memory_space<semaphore_mem>>)
          %dma_wait3A = arith.constant 0 : i32
          %dma_wait3A_40 = arith.constant 0 : i32
          %dma_wait3A_41 = tpu.memref_slice %arg3[%add3A_26, %dma_wait3A, %dma_wait3A_40] : memref<2048x16x256xf32, #tpu.memory_space<hbm>> -> memref<8x16x256xf32, #tpu.memory_space<hbm>>
          %dma_wait3A_42 = arith.constant 0 : i32
          %dma_wait3A_43 = arith.constant 0 : i32
          %dma_wait3A_44 = tpu.memref_slice %arg3[%add3A_26, %dma_wait3A_42, %dma_wait3A_43] : memref<2048x16x256xf32, #tpu.memory_space<hbm>> -> memref<8x16x256xf32, #tpu.memory_space<hbm>>
          tpu.wait_dma2 semaphore(%run_scoped3A : memref<!tpu.dma_semaphore, #tpu.memory_space<semaphore_mem>>) src(%dma_wait3A_44 : memref<8x16x256xf32, #tpu.memory_space<hbm>>) dst(%arg6 : memref<8x16x256xf32, #tpu.memory_space<vmem>>)
          tpu.yield
        }) : () -> ()
        %scan3A_27 = arith.constant 0 : i32
        %scan3A_28 = arith.constant 0 : i32
        %scan3A_29 = arith.constant 8 : i32
        %scan3A_30 = arith.addi %scan3A_28, %scan3A_29 : i32
        %scan3A_31 = arith.constant 1 : i32
        scf.for %scan3A_35 = %scan3A_28 to %scan3A_30 step %scan3A_31  : i32 {
          %mul3A_36 = arith.constant 8 : i32
          %mul3A_37 = arith.muli %scan3A_23, %mul3A_36 : i32
          %add3A_38 = arith.addi %mul3A_37, %scan3A_35 : i32
          %mul3A_39 = arith.constant 8 : i32
          %mul3A_40 = arith.muli %add3A_38, %mul3A_39 : i32
          %mul3A_41 = arith.constant 16 : i32
          %mul3A_42 = arith.muli %scan3A_35, %mul3A_41 : i32
          %broadcast_in_dim3A_43 = vector.broadcast %scan3A_35 : i32 to vector<16xi32>
          %parallel_loop3A = arith.constant 0 : i32
          %parallel_loop3A_44 = arith.constant 16 : i32
          %parallel_loop3A_45 = arith.constant 1 : i32
          scf.for %parallel_loop3A_46 = %parallel_loop3A to %parallel_loop3A_44 step %parallel_loop3A_45  : i32 {
            %parallel_loop3A_47 = arith.constant 16 : i32
            %parallel_loop3A_48 = arith.muli %parallel_loop3A_46, %parallel_loop3A_47 : i32
            %parallel_loop3A_49 = arith.constant 0 : i32
            %parallel_loop3A_50 = arith.addi %mul3A_40, %parallel_loop3A_49 : i32
            %parallel_loop3A_51 = arith.index_cast %parallel_loop3A_50 : i32 to index
            %parallel_loop3A_52 = arith.index_cast %parallel_loop3A_48 : i32 to index
            %parallel_loop3A_53 = tpu.vector_load %arg5[%parallel_loop3A_51, %parallel_loop3A_52] {strides = array<i32>} : memref<128x256xf32, #tpu.memory_space<vmem>>, vector<16xf32>,
            %parallel_loop3A_54 = vector.bitcast %parallel_loop3A_53 : vector<16xf32> to vector<16xi32>
            %parallel_loop3A_55 = arith.andi %parallel_loop3A_54, %broadcast_in_dim3A_3 : vector<16xi32>
            %parallel_loop3A_56 = arith.constant 0 : i32
            %parallel_loop3A_57 = vector.broadcast %parallel_loop3A_56 : i32 to vector<16xi32>
            %parallel_loop3A_58 = arith.ori %parallel_loop3A_55, %parallel_loop3A_57 : vector<16xi32>
            %parallel_loop3A_59 = arith.constant 1 : i32
            %parallel_loop3A_60 = arith.addi %mul3A_40, %parallel_loop3A_59 : i32
            %parallel_loop3A_61 = arith.index_cast %parallel_loop3A_60 : i32 to index
            %parallel_loop3A_62 = arith.index_cast %parallel_loop3A_48 : i32 to index
            %parallel_loop3A_63 = tpu.vector_load %arg5[%parallel_loop3A_61, %parallel_loop3A_62] {strides = array<i32>} : memref<128x256xf32, #tpu.memory_space<vmem>>, vector<16xf32>,
            %parallel_loop3A_64 = vector.bitcast %parallel_loop3A_63 : vector<16xf32> to vector<16xi32>
            %parallel_loop3A_65 = arith.andi %parallel_loop3A_64, %broadcast_in_dim3A_3 : vector<16xi32>
            %parallel_loop3A_66 = arith.constant 1 : i32
            %parallel_loop3A_67 = vector.broadcast %parallel_loop3A_66 : i32 to vector<16xi32>
            %parallel_loop3A_68 = arith.ori %parallel_loop3A_65, %parallel_loop3A_67 : vector<16xi32>
            %parallel_loop3A_69 = arith.constant 2 : i32
            %parallel_loop3A_70 = arith.addi %mul3A_40, %parallel_loop3A_69 : i32
            %parallel_loop3A_71 = arith.index_cast %parallel_loop3A_70 : i32 to index
            %parallel_loop3A_72 = arith.index_cast %parallel_loop3A_48 : i32 to index
            %parallel_loop3A_73 = tpu.vector_load %arg5[%parallel_loop3A_71, %parallel_loop3A_72] {strides = array<i32>} : memref<128x256xf32, #tpu.memory_space<vmem>>, vector<16xf32>,
            %parallel_loop3A_74 = vector.bitcast %parallel_loop3A_73 : vector<16xf32> to vector<16xi32>
            %parallel_loop3A_75 = arith.andi %parallel_loop3A_74, %broadcast_in_dim3A_3 : vector<16xi32>
            %parallel_loop3A_76 = arith.constant 2 : i32
            %parallel_loop3A_77 = vector.broadcast %parallel_loop3A_76 : i32 to vector<16xi32>
            %parallel_loop3A_78 = arith.ori %parallel_loop3A_75, %parallel_loop3A_77 : vector<16xi32>
            %parallel_loop3A_79 = arith.constant 3 : i32
            %parallel_loop3A_80 = arith.addi %mul3A_40, %parallel_loop3A_79 : i32
            %parallel_loop3A_81 = arith.index_cast %parallel_loop3A_80 : i32 to index
            %parallel_loop3A_82 = arith.index_cast %parallel_loop3A_48 : i32 to index
            %parallel_loop3A_83 = tpu.vector_load %arg5[%parallel_loop3A_81, %parallel_loop3A_82] {strides = array<i32>} : memref<128x256xf32, #tpu.memory_space<vmem>>, vector<16xf32>,
            %parallel_loop3A_84 = vector.bitcast %parallel_loop3A_83 : vector<16xf32> to vector<16xi32>
            %parallel_loop3A_85 = arith.andi %parallel_loop3A_84, %broadcast_in_dim3A_3 : vector<16xi32>
            %parallel_loop3A_86 = arith.constant 3 : i32
            %parallel_loop3A_87 = vector.broadcast %parallel_loop3A_86 : i32 to vector<16xi32>
            %parallel_loop3A_88 = arith.ori %parallel_loop3A_85, %parallel_loop3A_87 : vector<16xi32>
            %parallel_loop3A_89 = arith.constant 4 : i32
            %parallel_loop3A_90 = arith.addi %mul3A_40, %parallel_loop3A_89 : i32
            %parallel_loop3A_91 = arith.index_cast %parallel_loop3A_90 : i32 to index
            %parallel_loop3A_92 = arith.index_cast %parallel_loop3A_48 : i32 to index
            %parallel_loop3A_93 = tpu.vector_load %arg5[%parallel_loop3A_91, %parallel_loop3A_92] {strides = array<i32>} : memref<128x256xf32, #tpu.memory_space<vmem>>, vector<16xf32>,
            %parallel_loop3A_94 = vector.bitcast %parallel_loop3A_93 : vector<16xf32> to vector<16xi32>
            %parallel_loop3A_95 = arith.andi %parallel_loop3A_94, %broadcast_in_dim3A_3 : vector<16xi32>
            %parallel_loop3A_96 = arith.constant 4 : i32
            %parallel_loop3A_97 = vector.broadcast %parallel_loop3A_96 : i32 to vector<16xi32>
            %parallel_loop3A_98 = arith.ori %parallel_loop3A_95, %parallel_loop3A_97 : vector<16xi32>
            %parallel_loop3A_99 = arith.constant 5 : i32
            %parallel_loop3A_100 = arith.addi %mul3A_40, %parallel_loop3A_99 : i32
            %parallel_loop3A_101 = arith.index_cast %parallel_loop3A_100 : i32 to index
            %parallel_loop3A_102 = arith.index_cast %parallel_loop3A_48 : i32 to index
            %parallel_loop3A_103 = tpu.vector_load %arg5[%parallel_loop3A_101, %parallel_loop3A_102] {strides = array<i32>} : memref<128x256xf32, #tpu.memory_space<vmem>>, vector<16xf32>,
            %parallel_loop3A_104 = vector.bitcast %parallel_loop3A_103 : vector<16xf32> to vector<16xi32>
            %parallel_loop3A_105 = arith.andi %parallel_loop3A_104, %broadcast_in_dim3A_3 : vector<16xi32>
            %parallel_loop3A_106 = arith.constant 5 : i32
            %parallel_loop3A_107 = vector.broadcast %parallel_loop3A_106 : i32 to vector<16xi32>
            %parallel_loop3A_108 = arith.ori %parallel_loop3A_105, %parallel_loop3A_107 : vector<16xi32>
            %parallel_loop3A_109 = arith.constant 6 : i32
            %parallel_loop3A_110 = arith.addi %mul3A_40, %parallel_loop3A_109 : i32
            %parallel_loop3A_111 = arith.index_cast %parallel_loop3A_110 : i32 to index
            %parallel_loop3A_112 = arith.index_cast %parallel_loop3A_48 : i32 to index
            %parallel_loop3A_113 = tpu.vector_load %arg5[%parallel_loop3A_111, %parallel_loop3A_112] {strides = array<i32>} : memref<128x256xf32, #tpu.memory_space<vmem>>, vector<16xf32>,
            %parallel_loop3A_114 = vector.bitcast %parallel_loop3A_113 : vector<16xf32> to vector<16xi32>
            %parallel_loop3A_115 = arith.andi %parallel_loop3A_114, %broadcast_in_dim3A_3 : vector<16xi32>
            %parallel_loop3A_116 = arith.constant 6 : i32
            %parallel_loop3A_117 = vector.broadcast %parallel_loop3A_116 : i32 to vector<16xi32>
            %parallel_loop3A_118 = arith.ori %parallel_loop3A_115, %parallel_loop3A_117 : vector<16xi32>
            %parallel_loop3A_119 = arith.constant 7 : i32
            %parallel_loop3A_120 = arith.addi %mul3A_40, %parallel_loop3A_119 : i32
            %parallel_loop3A_121 = arith.index_cast %parallel_loop3A_120 : i32 to index
            %parallel_loop3A_122 = arith.index_cast %parallel_loop3A_48 : i32 to index
            %parallel_loop3A_123 = tpu.vector_load %arg5[%parallel_loop3A_121, %parallel_loop3A_122] {strides = array<i32>} : memref<128x256xf32, #tpu.memory_space<vmem>>, vector<16xf32>,
            %parallel_loop3A_124 = vector.bitcast %parallel_loop3A_123 : vector<16xf32> to vector<16xi32>
            %parallel_loop3A_125 = arith.andi %parallel_loop3A_124, %broadcast_in_dim3A_3 : vector<16xi32>
            %parallel_loop3A_126 = arith.constant 7 : i32
            %parallel_loop3A_127 = vector.broadcast %parallel_loop3A_126 : i32 to vector<16xi32>
            %parallel_loop3A_128 = arith.ori %parallel_loop3A_125, %parallel_loop3A_127 : vector<16xi32>
            %parallel_loop3A_129 = arith.minsi %parallel_loop3A_58, %parallel_loop3A_68 : vector<16xi32>
            %parallel_loop3A_130 = arith.maxsi %parallel_loop3A_58, %parallel_loop3A_68 : vector<16xi32>
            %parallel_loop3A_131 = arith.minsi %parallel_loop3A_78, %parallel_loop3A_88 : vector<16xi32>
            %parallel_loop3A_132 = arith.maxsi %parallel_loop3A_78, %parallel_loop3A_88 : vector<16xi32>
            %parallel_loop3A_133 = arith.minsi %parallel_loop3A_98, %parallel_loop3A_108 : vector<16xi32>
            %parallel_loop3A_134 = arith.maxsi %parallel_loop3A_98, %parallel_loop3A_108 : vector<16xi32>
            %parallel_loop3A_135 = arith.minsi %parallel_loop3A_118, %parallel_loop3A_128 : vector<16xi32>
            %parallel_loop3A_136 = arith.maxsi %parallel_loop3A_118, %parallel_loop3A_128 : vector<16xi32>
            %parallel_loop3A_137 = arith.minsi %parallel_loop3A_129, %parallel_loop3A_131 : vector<16xi32>
            %parallel_loop3A_138 = arith.maxsi %parallel_loop3A_129, %parallel_loop3A_131 : vector<16xi32>
            %parallel_loop3A_139 = arith.minsi %parallel_loop3A_130, %parallel_loop3A_132 : vector<16xi32>
            %parallel_loop3A_140 = arith.maxsi %parallel_loop3A_130, %parallel_loop3A_132 : vector<16xi32>
            %parallel_loop3A_141 = arith.minsi %parallel_loop3A_133, %parallel_loop3A_135 : vector<16xi32>
            %parallel_loop3A_142 = arith.maxsi %parallel_loop3A_133, %parallel_loop3A_135 : vector<16xi32>
            %parallel_loop3A_143 = arith.minsi %parallel_loop3A_134, %parallel_loop3A_136 : vector<16xi32>
            %parallel_loop3A_144 = arith.maxsi %parallel_loop3A_134, %parallel_loop3A_136 : vector<16xi32>
            %parallel_loop3A_145 = arith.minsi %parallel_loop3A_139, %parallel_loop3A_138 : vector<16xi32>
            %parallel_loop3A_146 = arith.maxsi %parallel_loop3A_139, %parallel_loop3A_138 : vector<16xi32>
            %parallel_loop3A_147 = arith.minsi %parallel_loop3A_143, %parallel_loop3A_142 : vector<16xi32>
            %parallel_loop3A_148 = arith.maxsi %parallel_loop3A_143, %parallel_loop3A_142 : vector<16xi32>
            %parallel_loop3A_149 = arith.minsi %parallel_loop3A_137, %parallel_loop3A_141 : vector<16xi32>
            %parallel_loop3A_150 = arith.maxsi %parallel_loop3A_137, %parallel_loop3A_141 : vector<16xi32>
            %parallel_loop3A_151 = arith.minsi %parallel_loop3A_145, %parallel_loop3A_147 : vector<16xi32>
            %parallel_loop3A_152 = arith.maxsi %parallel_loop3A_145, %parallel_loop3A_147 : vector<16xi32>
            %parallel_loop3A_153 = arith.minsi %parallel_loop3A_146, %parallel_loop3A_148 : vector<16xi32>
            %parallel_loop3A_154 = arith.maxsi %parallel_loop3A_146, %parallel_loop3A_148 : vector<16xi32>
            %parallel_loop3A_155 = arith.minsi %parallel_loop3A_140, %parallel_loop3A_144 : vector<16xi32>
            %parallel_loop3A_156 = arith.maxsi %parallel_loop3A_140, %parallel_loop3A_144 : vector<16xi32>
            %parallel_loop3A_157 = arith.minsi %parallel_loop3A_153, %parallel_loop3A_150 : vector<16xi32>
            %parallel_loop3A_158 = arith.maxsi %parallel_loop3A_153, %parallel_loop3A_150 : vector<16xi32>
            %parallel_loop3A_159 = arith.minsi %parallel_loop3A_155, %parallel_loop3A_152 : vector<16xi32>
            %parallel_loop3A_160 = arith.maxsi %parallel_loop3A_155, %parallel_loop3A_152 : vector<16xi32>
            %parallel_loop3A_161 = arith.minsi %parallel_loop3A_151, %parallel_loop3A_157 : vector<16xi32>
            %parallel_loop3A_162 = arith.maxsi %parallel_loop3A_151, %parallel_loop3A_157 : vector<16xi32>
            %parallel_loop3A_163 = arith.minsi %parallel_loop3A_159, %parallel_loop3A_158 : vector<16xi32>
            %parallel_loop3A_164 = arith.maxsi %parallel_loop3A_159, %parallel_loop3A_158 : vector<16xi32>
            %parallel_loop3A_165 = arith.minsi %parallel_loop3A_160, %parallel_loop3A_154 : vector<16xi32>
            %parallel_loop3A_166 = arith.maxsi %parallel_loop3A_160, %parallel_loop3A_154 : vector<16xi32>
            %parallel_loop3A_167 = vector.bitcast %parallel_loop3A_149 : vector<16xi32> to vector<16xf32>
            %parallel_loop3A_168 = vector.bitcast %parallel_loop3A_161 : vector<16xi32> to vector<16xf32>
            %parallel_loop3A_169 = vector.bitcast %parallel_loop3A_162 : vector<16xi32> to vector<16xf32>
            %parallel_loop3A_170 = vector.bitcast %parallel_loop3A_163 : vector<16xi32> to vector<16xf32>
            %parallel_loop3A_171 = vector.bitcast %parallel_loop3A_164 : vector<16xi32> to vector<16xf32>
            %parallel_loop3A_172 = vector.bitcast %parallel_loop3A_165 : vector<16xi32> to vector<16xf32>
            %parallel_loop3A_173 = vector.bitcast %parallel_loop3A_166 : vector<16xi32> to vector<16xf32>
            %parallel_loop3A_174 = vector.bitcast %parallel_loop3A_156 : vector<16xi32> to vector<16xf32>
            %parallel_loop3A_175 = arith.constant 7 : i32
            %parallel_loop3A_176 = vector.broadcast %parallel_loop3A_175 : i32 to vector<16xi32>
            %parallel_loop3A_177 = arith.andi %parallel_loop3A_149, %parallel_loop3A_176 : vector<16xi32>
            %parallel_loop3A_178 = arith.shli %broadcast_in_dim3A_5, %parallel_loop3A_177 : vector<16xi32>
            %parallel_loop3A_179 = arith.constant 7 : i32
            %parallel_loop3A_180 = vector.broadcast %parallel_loop3A_179 : i32 to vector<16xi32>
            %parallel_loop3A_181 = arith.andi %parallel_loop3A_161, %parallel_loop3A_180 : vector<16xi32>
            %parallel_loop3A_182 = arith.shli %broadcast_in_dim3A_5, %parallel_loop3A_181 : vector<16xi32>
            %parallel_loop3A_183 = arith.constant 7 : i32
            %parallel_loop3A_184 = vector.broadcast %parallel_loop3A_183 : i32 to vector<16xi32>
            %parallel_loop3A_185 = arith.andi %parallel_loop3A_162, %parallel_loop3A_184 : vector<16xi32>
            %parallel_loop3A_186 = arith.shli %broadcast_in_dim3A_5, %parallel_loop3A_185 : vector<16xi32>
            %parallel_loop3A_187 = arith.constant 7 : i32
            %parallel_loop3A_188 = vector.broadcast %parallel_loop3A_187 : i32 to vector<16xi32>
            %parallel_loop3A_189 = arith.andi %parallel_loop3A_163, %parallel_loop3A_188 : vector<16xi32>
            %parallel_loop3A_190 = arith.shli %broadcast_in_dim3A_5, %parallel_loop3A_189 : vector<16xi32>
            %parallel_loop3A_191 = arith.constant 7 : i32
            %parallel_loop3A_192 = vector.broadcast %parallel_loop3A_191 : i32 to vector<16xi32>
            %parallel_loop3A_193 = arith.andi %parallel_loop3A_164, %parallel_loop3A_192 : vector<16xi32>
            %parallel_loop3A_194 = arith.shli %broadcast_in_dim3A_5, %parallel_loop3A_193 : vector<16xi32>
            %parallel_loop3A_195 = arith.constant 7 : i32
            %parallel_loop3A_196 = vector.broadcast %parallel_loop3A_195 : i32 to vector<16xi32>
            %parallel_loop3A_197 = arith.andi %parallel_loop3A_165, %parallel_loop3A_196 : vector<16xi32>
            %parallel_loop3A_198 = arith.shli %broadcast_in_dim3A_5, %parallel_loop3A_197 : vector<16xi32>
            %parallel_loop3A_199 = arith.constant 7 : i32
            %parallel_loop3A_200 = vector.broadcast %parallel_loop3A_199 : i32 to vector<16xi32>
            %parallel_loop3A_201 = arith.andi %parallel_loop3A_166, %parallel_loop3A_200 : vector<16xi32>
            %parallel_loop3A_202 = arith.shli %broadcast_in_dim3A_5, %parallel_loop3A_201 : vector<16xi32>
            %parallel_loop3A_203 = arith.constant 7 : i32
            %parallel_loop3A_204 = vector.broadcast %parallel_loop3A_203 : i32 to vector<16xi32>
            %parallel_loop3A_205 = arith.andi %parallel_loop3A_156, %parallel_loop3A_204 : vector<16xi32>
            %parallel_loop3A_206 = arith.shli %broadcast_in_dim3A_5, %parallel_loop3A_205 : vector<16xi32>
            %parallel_loop3A_207 = arith.subf %parallel_loop3A_168, %parallel_loop3A_167 : vector<16xf32>
            %parallel_loop3A_208 = arith.subf %parallel_loop3A_169, %parallel_loop3A_168 : vector<16xf32>
            %parallel_loop3A_209 = arith.subf %parallel_loop3A_170, %parallel_loop3A_169 : vector<16xf32>
            %parallel_loop3A_210 = arith.subf %parallel_loop3A_171, %parallel_loop3A_170 : vector<16xf32>
            %parallel_loop3A_211 = arith.subf %parallel_loop3A_172, %parallel_loop3A_171 : vector<16xf32>
            %parallel_loop3A_212 = arith.subf %parallel_loop3A_173, %parallel_loop3A_172 : vector<16xf32>
            %parallel_loop3A_213 = arith.subf %parallel_loop3A_174, %parallel_loop3A_173 : vector<16xf32>
            %parallel_loop3A_214 = arith.addi %parallel_loop3A_206, %parallel_loop3A_202 : vector<16xi32>
            %parallel_loop3A_215 = arith.addi %parallel_loop3A_214, %parallel_loop3A_198 : vector<16xi32>
            %parallel_loop3A_216 = arith.addi %parallel_loop3A_215, %parallel_loop3A_194 : vector<16xi32>
            %parallel_loop3A_217 = arith.addi %parallel_loop3A_216, %parallel_loop3A_190 : vector<16xi32>
            %parallel_loop3A_218 = arith.addi %parallel_loop3A_217, %parallel_loop3A_186 : vector<16xi32>
            %parallel_loop3A_219 = arith.addi %parallel_loop3A_218, %parallel_loop3A_182 : vector<16xi32>
            %parallel_loop3A_220 = arith.addi %parallel_loop3A_219, %parallel_loop3A_178 : vector<16xi32>
            %parallel_loop3A_221 = arith.constant 0 : i32
            %parallel_loop3A_222 = vector.broadcast %parallel_loop3A_221 : i32 to vector<16xi32>
            %parallel_loop3A_223 = tpu.vector_load_idx %arg6[%broadcast_in_dim3A_43, %parallel_loop3A_222, %parallel_loop3A_220] : memref<8x16x256xf32, #tpu.memory_space<vmem>>[vector<16xi32>, vector<16xi32>, vector<16xi32>], vector<16xf32>,
            %parallel_loop3A_224 = arith.mulf %parallel_loop3A_167, %parallel_loop3A_223 : vector<16xf32>
            %parallel_loop3A_225 = tpu.vector_load_idx %arg6[%broadcast_in_dim3A_43, %parallel_loop3A_222, %parallel_loop3A_219] : memref<8x16x256xf32, #tpu.memory_space<vmem>>[vector<16xi32>, vector<16xi32>, vector<16xi32>], vector<16xf32>,
            %parallel_loop3A_226 = arith.mulf %parallel_loop3A_207, %parallel_loop3A_225 : vector<16xf32>
            %parallel_loop3A_227 = arith.addf %parallel_loop3A_224, %parallel_loop3A_226 : vector<16xf32>
            %parallel_loop3A_228 = tpu.vector_load_idx %arg6[%broadcast_in_dim3A_43, %parallel_loop3A_222, %parallel_loop3A_218] : memref<8x16x256xf32, #tpu.memory_space<vmem>>[vector<16xi32>, vector<16xi32>, vector<16xi32>], vector<16xf32>,
            %parallel_loop3A_229 = arith.mulf %parallel_loop3A_208, %parallel_loop3A_228 : vector<16xf32>
            %parallel_loop3A_230 = arith.addf %parallel_loop3A_227, %parallel_loop3A_229 : vector<16xf32>
            %parallel_loop3A_231 = tpu.vector_load_idx %arg6[%broadcast_in_dim3A_43, %parallel_loop3A_222, %parallel_loop3A_217] : memref<8x16x256xf32, #tpu.memory_space<vmem>>[vector<16xi32>, vector<16xi32>, vector<16xi32>], vector<16xf32>,
            %parallel_loop3A_232 = arith.mulf %parallel_loop3A_209, %parallel_loop3A_231 : vector<16xf32>
            %parallel_loop3A_233 = arith.addf %parallel_loop3A_230, %parallel_loop3A_232 : vector<16xf32>
            %parallel_loop3A_234 = tpu.vector_load_idx %arg6[%broadcast_in_dim3A_43, %parallel_loop3A_222, %parallel_loop3A_216] : memref<8x16x256xf32, #tpu.memory_space<vmem>>[vector<16xi32>, vector<16xi32>, vector<16xi32>], vector<16xf32>,
            %parallel_loop3A_235 = arith.mulf %parallel_loop3A_210, %parallel_loop3A_234 : vector<16xf32>
            %parallel_loop3A_236 = arith.addf %parallel_loop3A_233, %parallel_loop3A_235 : vector<16xf32>
            %parallel_loop3A_237 = tpu.vector_load_idx %arg6[%broadcast_in_dim3A_43, %parallel_loop3A_222, %parallel_loop3A_215] : memref<8x16x256xf32, #tpu.memory_space<vmem>>[vector<16xi32>, vector<16xi32>, vector<16xi32>], vector<16xf32>,
            %parallel_loop3A_238 = arith.mulf %parallel_loop3A_211, %parallel_loop3A_237 : vector<16xf32>
            %parallel_loop3A_239 = arith.addf %parallel_loop3A_236, %parallel_loop3A_238 : vector<16xf32>
            %parallel_loop3A_240 = tpu.vector_load_idx %arg6[%broadcast_in_dim3A_43, %parallel_loop3A_222, %parallel_loop3A_214] : memref<8x16x256xf32, #tpu.memory_space<vmem>>[vector<16xi32>, vector<16xi32>, vector<16xi32>], vector<16xf32>,
            %parallel_loop3A_241 = arith.mulf %parallel_loop3A_212, %parallel_loop3A_240 : vector<16xf32>
            %parallel_loop3A_242 = arith.addf %parallel_loop3A_239, %parallel_loop3A_241 : vector<16xf32>
            %parallel_loop3A_243 = tpu.vector_load_idx %arg6[%broadcast_in_dim3A_43, %parallel_loop3A_222, %parallel_loop3A_206] : memref<8x16x256xf32, #tpu.memory_space<vmem>>[vector<16xi32>, vector<16xi32>, vector<16xi32>], vector<16xf32>,
            %parallel_loop3A_244 = arith.mulf %parallel_loop3A_213, %parallel_loop3A_243 : vector<16xf32>
            %parallel_loop3A_245 = arith.addf %parallel_loop3A_242, %parallel_loop3A_244 : vector<16xf32>
            %parallel_loop3A_246 = arith.constant 1 : i32
            %parallel_loop3A_247 = vector.broadcast %parallel_loop3A_246 : i32 to vector<16xi32>
            %parallel_loop3A_248 = tpu.vector_load_idx %arg6[%broadcast_in_dim3A_43, %parallel_loop3A_247, %parallel_loop3A_220] : memref<8x16x256xf32, #tpu.memory_space<vmem>>[vector<16xi32>, vector<16xi32>, vector<16xi32>], vector<16xf32>,
            %parallel_loop3A_249 = arith.mulf %parallel_loop3A_167, %parallel_loop3A_248 : vector<16xf32>
            %parallel_loop3A_250 = tpu.vector_load_idx %arg6[%broadcast_in_dim3A_43, %parallel_loop3A_247, %parallel_loop3A_219] : memref<8x16x256xf32, #tpu.memory_space<vmem>>[vector<16xi32>, vector<16xi32>, vector<16xi32>], vector<16xf32>,
            %parallel_loop3A_251 = arith.mulf %parallel_loop3A_207, %parallel_loop3A_250 : vector<16xf32>
            %parallel_loop3A_252 = arith.addf %parallel_loop3A_249, %parallel_loop3A_251 : vector<16xf32>
            %parallel_loop3A_253 = tpu.vector_load_idx %arg6[%broadcast_in_dim3A_43, %parallel_loop3A_247, %parallel_loop3A_218] : memref<8x16x256xf32, #tpu.memory_space<vmem>>[vector<16xi32>, vector<16xi32>, vector<16xi32>], vector<16xf32>,
            %parallel_loop3A_254 = arith.mulf %parallel_loop3A_208, %parallel_loop3A_253 : vector<16xf32>
            %parallel_loop3A_255 = arith.addf %parallel_loop3A_252, %parallel_loop3A_254 : vector<16xf32>
            %parallel_loop3A_256 = tpu.vector_load_idx %arg6[%broadcast_in_dim3A_43, %parallel_loop3A_247, %parallel_loop3A_217] : memref<8x16x256xf32, #tpu.memory_space<vmem>>[vector<16xi32>, vector<16xi32>, vector<16xi32>], vector<16xf32>,
            %parallel_loop3A_257 = arith.mulf %parallel_loop3A_209, %parallel_loop3A_256 : vector<16xf32>
            %parallel_loop3A_258 = arith.addf %parallel_loop3A_255, %parallel_loop3A_257 : vector<16xf32>
            %parallel_loop3A_259 = tpu.vector_load_idx %arg6[%broadcast_in_dim3A_43, %parallel_loop3A_247, %parallel_loop3A_216] : memref<8x16x256xf32, #tpu.memory_space<vmem>>[vector<16xi32>, vector<16xi32>, vector<16xi32>], vector<16xf32>,
            %parallel_loop3A_260 = arith.mulf %parallel_loop3A_210, %parallel_loop3A_259 : vector<16xf32>
            %parallel_loop3A_261 = arith.addf %parallel_loop3A_258, %parallel_loop3A_260 : vector<16xf32>
            %parallel_loop3A_262 = tpu.vector_load_idx %arg6[%broadcast_in_dim3A_43, %parallel_loop3A_247, %parallel_loop3A_215] : memref<8x16x256xf32, #tpu.memory_space<vmem>>[vector<16xi32>, vector<16xi32>, vector<16xi32>], vector<16xf32>,
            %parallel_loop3A_263 = arith.mulf %parallel_loop3A_211, %parallel_loop3A_262 : vector<16xf32>
            %parallel_loop3A_264 = arith.addf %parallel_loop3A_261, %parallel_loop3A_263 : vector<16xf32>
            %parallel_loop3A_265 = tpu.vector_load_idx %arg6[%broadcast_in_dim3A_43, %parallel_loop3A_247, %parallel_loop3A_214] : memref<8x16x256xf32, #tpu.memory_space<vmem>>[vector<16xi32>, vector<16xi32>, vector<16xi32>], vector<16xf32>,
            %parallel_loop3A_266 = arith.mulf %parallel_loop3A_212, %parallel_loop3A_265 : vector<16xf32>
            %parallel_loop3A_267 = arith.addf %parallel_loop3A_264, %parallel_loop3A_266 : vector<16xf32>
            %parallel_loop3A_268 = tpu.vector_load_idx %arg6[%broadcast_in_dim3A_43, %parallel_loop3A_247, %parallel_loop3A_206] : memref<8x16x256xf32, #tpu.memory_space<vmem>>[vector<16xi32>, vector<16xi32>, vector<16xi32>], vector<16xf32>,
            %parallel_loop3A_269 = arith.mulf %parallel_loop3A_213, %parallel_loop3A_268 : vector<16xf32>
            %parallel_loop3A_270 = arith.addf %parallel_loop3A_267, %parallel_loop3A_269 : vector<16xf32>
            %parallel_loop3A_271 = arith.constant 2 : i32
            %parallel_loop3A_272 = vector.broadcast %parallel_loop3A_271 : i32 to vector<16xi32>
            %parallel_loop3A_273 = tpu.vector_load_idx %arg6[%broadcast_in_dim3A_43, %parallel_loop3A_272, %parallel_loop3A_220] : memref<8x16x256xf32, #tpu.memory_space<vmem>>[vector<16xi32>, vector<16xi32>, vector<16xi32>], vector<16xf32>,
            %parallel_loop3A_274 = arith.mulf %parallel_loop3A_167, %parallel_loop3A_273 : vector<16xf32>
            %parallel_loop3A_275 = tpu.vector_load_idx %arg6[%broadcast_in_dim3A_43, %parallel_loop3A_272, %parallel_loop3A_219] : memref<8x16x256xf32, #tpu.memory_space<vmem>>[vector<16xi32>, vector<16xi32>, vector<16xi32>], vector<16xf32>,
            %parallel_loop3A_276 = arith.mulf %parallel_loop3A_207, %parallel_loop3A_275 : vector<16xf32>
            %parallel_loop3A_277 = arith.addf %parallel_loop3A_274, %parallel_loop3A_276 : vector<16xf32>
            %parallel_loop3A_278 = tpu.vector_load_idx %arg6[%broadcast_in_dim3A_43, %parallel_loop3A_272, %parallel_loop3A_218] : memref<8x16x256xf32, #tpu.memory_space<vmem>>[vector<16xi32>, vector<16xi32>, vector<16xi32>], vector<16xf32>,
            %parallel_loop3A_279 = arith.mulf %parallel_loop3A_208, %parallel_loop3A_278 : vector<16xf32>
            %parallel_loop3A_280 = arith.addf %parallel_loop3A_277, %parallel_loop3A_279 : vector<16xf32>
            %parallel_loop3A_281 = tpu.vector_load_idx %arg6[%broadcast_in_dim3A_43, %parallel_loop3A_272, %parallel_loop3A_217] : memref<8x16x256xf32, #tpu.memory_space<vmem>>[vector<16xi32>, vector<16xi32>, vector<16xi32>], vector<16xf32>,
            %parallel_loop3A_282 = arith.mulf %parallel_loop3A_209, %parallel_loop3A_281 : vector<16xf32>
            %parallel_loop3A_283 = arith.addf %parallel_loop3A_280, %parallel_loop3A_282 : vector<16xf32>
            %parallel_loop3A_284 = tpu.vector_load_idx %arg6[%broadcast_in_dim3A_43, %parallel_loop3A_272, %parallel_loop3A_216] : memref<8x16x256xf32, #tpu.memory_space<vmem>>[vector<16xi32>, vector<16xi32>, vector<16xi32>], vector<16xf32>,
            %parallel_loop3A_285 = arith.mulf %parallel_loop3A_210, %parallel_loop3A_284 : vector<16xf32>
            %parallel_loop3A_286 = arith.addf %parallel_loop3A_283, %parallel_loop3A_285 : vector<16xf32>
            %parallel_loop3A_287 = tpu.vector_load_idx %arg6[%broadcast_in_dim3A_43, %parallel_loop3A_272, %parallel_loop3A_215] : memref<8x16x256xf32, #tpu.memory_space<vmem>>[vector<16xi32>, vector<16xi32>, vector<16xi32>], vector<16xf32>,
            %parallel_loop3A_288 = arith.mulf %parallel_loop3A_211, %parallel_loop3A_287 : vector<16xf32>
            %parallel_loop3A_289 = arith.addf %parallel_loop3A_286, %parallel_loop3A_288 : vector<16xf32>
            %parallel_loop3A_290 = tpu.vector_load_idx %arg6[%broadcast_in_dim3A_43, %parallel_loop3A_272, %parallel_loop3A_214] : memref<8x16x256xf32, #tpu.memory_space<vmem>>[vector<16xi32>, vector<16xi32>, vector<16xi32>], vector<16xf32>,
            %parallel_loop3A_291 = arith.mulf %parallel_loop3A_212, %parallel_loop3A_290 : vector<16xf32>
            %parallel_loop3A_292 = arith.addf %parallel_loop3A_289, %parallel_loop3A_291 : vector<16xf32>
            %parallel_loop3A_293 = tpu.vector_load_idx %arg6[%broadcast_in_dim3A_43, %parallel_loop3A_272, %parallel_loop3A_206] : memref<8x16x256xf32, #tpu.memory_space<vmem>>[vector<16xi32>, vector<16xi32>, vector<16xi32>], vector<16xf32>,
            %parallel_loop3A_294 = arith.mulf %parallel_loop3A_213, %parallel_loop3A_293 : vector<16xf32>
            %parallel_loop3A_295 = arith.addf %parallel_loop3A_292, %parallel_loop3A_294 : vector<16xf32>
            %parallel_loop3A_296 = arith.constant 3 : i32
            %parallel_loop3A_297 = vector.broadcast %parallel_loop3A_296 : i32 to vector<16xi32>
            %parallel_loop3A_298 = tpu.vector_load_idx %arg6[%broadcast_in_dim3A_43, %parallel_loop3A_297, %parallel_loop3A_220] : memref<8x16x256xf32, #tpu.memory_space<vmem>>[vector<16xi32>, vector<16xi32>, vector<16xi32>], vector<16xf32>,
            %parallel_loop3A_299 = arith.mulf %parallel_loop3A_167, %parallel_loop3A_298 : vector<16xf32>
            %parallel_loop3A_300 = tpu.vector_load_idx %arg6[%broadcast_in_dim3A_43, %parallel_loop3A_297, %parallel_loop3A_219] : memref<8x16x256xf32, #tpu.memory_space<vmem>>[vector<16xi32>, vector<16xi32>, vector<16xi32>], vector<16xf32>,
            %parallel_loop3A_301 = arith.mulf %parallel_loop3A_207, %parallel_loop3A_300 : vector<16xf32>
            %parallel_loop3A_302 = arith.addf %parallel_loop3A_299, %parallel_loop3A_301 : vector<16xf32>
            %parallel_loop3A_303 = tpu.vector_load_idx %arg6[%broadcast_in_dim3A_43, %parallel_loop3A_297, %parallel_loop3A_218] : memref<8x16x256xf32, #tpu.memory_space<vmem>>[vector<16xi32>, vector<16xi32>, vector<16xi32>], vector<16xf32>,
            %parallel_loop3A_304 = arith.mulf %parallel_loop3A_208, %parallel_loop3A_303 : vector<16xf32>
            %parallel_loop3A_305 = arith.addf %parallel_loop3A_302, %parallel_loop3A_304 : vector<16xf32>
            %parallel_loop3A_306 = tpu.vector_load_idx %arg6[%broadcast_in_dim3A_43, %parallel_loop3A_297, %parallel_loop3A_217] : memref<8x16x256xf32, #tpu.memory_space<vmem>>[vector<16xi32>, vector<16xi32>, vector<16xi32>], vector<16xf32>,
            %parallel_loop3A_307 = arith.mulf %parallel_loop3A_209, %parallel_loop3A_306 : vector<16xf32>
            %parallel_loop3A_308 = arith.addf %parallel_loop3A_305, %parallel_loop3A_307 : vector<16xf32>
            %parallel_loop3A_309 = tpu.vector_load_idx %arg6[%broadcast_in_dim3A_43, %parallel_loop3A_297, %parallel_loop3A_216] : memref<8x16x256xf32, #tpu.memory_space<vmem>>[vector<16xi32>, vector<16xi32>, vector<16xi32>], vector<16xf32>,
            %parallel_loop3A_310 = arith.mulf %parallel_loop3A_210, %parallel_loop3A_309 : vector<16xf32>
            %parallel_loop3A_311 = arith.addf %parallel_loop3A_308, %parallel_loop3A_310 : vector<16xf32>
            %parallel_loop3A_312 = tpu.vector_load_idx %arg6[%broadcast_in_dim3A_43, %parallel_loop3A_297, %parallel_loop3A_215] : memref<8x16x256xf32, #tpu.memory_space<vmem>>[vector<16xi32>, vector<16xi32>, vector<16xi32>], vector<16xf32>,
            %parallel_loop3A_313 = arith.mulf %parallel_loop3A_211, %parallel_loop3A_312 : vector<16xf32>
            %parallel_loop3A_314 = arith.addf %parallel_loop3A_311, %parallel_loop3A_313 : vector<16xf32>
            %parallel_loop3A_315 = tpu.vector_load_idx %arg6[%broadcast_in_dim3A_43, %parallel_loop3A_297, %parallel_loop3A_214] : memref<8x16x256xf32, #tpu.memory_space<vmem>>[vector<16xi32>, vector<16xi32>, vector<16xi32>], vector<16xf32>,
            %parallel_loop3A_316 = arith.mulf %parallel_loop3A_212, %parallel_loop3A_315 : vector<16xf32>
            %parallel_loop3A_317 = arith.addf %parallel_loop3A_314, %parallel_loop3A_316 : vector<16xf32>
            %parallel_loop3A_318 = tpu.vector_load_idx %arg6[%broadcast_in_dim3A_43, %parallel_loop3A_297, %parallel_loop3A_206] : memref<8x16x256xf32, #tpu.memory_space<vmem>>[vector<16xi32>, vector<16xi32>, vector<16xi32>], vector<16xf32>,
            %parallel_loop3A_319 = arith.mulf %parallel_loop3A_213, %parallel_loop3A_318 : vector<16xf32>
            %parallel_loop3A_320 = arith.addf %parallel_loop3A_317, %parallel_loop3A_319 : vector<16xf32>
            %parallel_loop3A_321 = arith.constant 4 : i32
            %parallel_loop3A_322 = vector.broadcast %parallel_loop3A_321 : i32 to vector<16xi32>
            %parallel_loop3A_323 = tpu.vector_load_idx %arg6[%broadcast_in_dim3A_43, %parallel_loop3A_322, %parallel_loop3A_220] : memref<8x16x256xf32, #tpu.memory_space<vmem>>[vector<16xi32>, vector<16xi32>, vector<16xi32>], vector<16xf32>,
            %parallel_loop3A_324 = arith.mulf %parallel_loop3A_167, %parallel_loop3A_323 : vector<16xf32>
            %parallel_loop3A_325 = tpu.vector_load_idx %arg6[%broadcast_in_dim3A_43, %parallel_loop3A_322, %parallel_loop3A_219] : memref<8x16x256xf32, #tpu.memory_space<vmem>>[vector<16xi32>, vector<16xi32>, vector<16xi32>], vector<16xf32>,
            %parallel_loop3A_326 = arith.mulf %parallel_loop3A_207, %parallel_loop3A_325 : vector<16xf32>
            %parallel_loop3A_327 = arith.addf %parallel_loop3A_324, %parallel_loop3A_326 : vector<16xf32>
            %parallel_loop3A_328 = tpu.vector_load_idx %arg6[%broadcast_in_dim3A_43, %parallel_loop3A_322, %parallel_loop3A_218] : memref<8x16x256xf32, #tpu.memory_space<vmem>>[vector<16xi32>, vector<16xi32>, vector<16xi32>], vector<16xf32>,
            %parallel_loop3A_329 = arith.mulf %parallel_loop3A_208, %parallel_loop3A_328 : vector<16xf32>
            %parallel_loop3A_330 = arith.addf %parallel_loop3A_327, %parallel_loop3A_329 : vector<16xf32>
            %parallel_loop3A_331 = tpu.vector_load_idx %arg6[%broadcast_in_dim3A_43, %parallel_loop3A_322, %parallel_loop3A_217] : memref<8x16x256xf32, #tpu.memory_space<vmem>>[vector<16xi32>, vector<16xi32>, vector<16xi32>], vector<16xf32>,
            %parallel_loop3A_332 = arith.mulf %parallel_loop3A_209, %parallel_loop3A_331 : vector<16xf32>
            %parallel_loop3A_333 = arith.addf %parallel_loop3A_330, %parallel_loop3A_332 : vector<16xf32>
            %parallel_loop3A_334 = tpu.vector_load_idx %arg6[%broadcast_in_dim3A_43, %parallel_loop3A_322, %parallel_loop3A_216] : memref<8x16x256xf32, #tpu.memory_space<vmem>>[vector<16xi32>, vector<16xi32>, vector<16xi32>], vector<16xf32>,
            %parallel_loop3A_335 = arith.mulf %parallel_loop3A_210, %parallel_loop3A_334 : vector<16xf32>
            %parallel_loop3A_336 = arith.addf %parallel_loop3A_333, %parallel_loop3A_335 : vector<16xf32>
            %parallel_loop3A_337 = tpu.vector_load_idx %arg6[%broadcast_in_dim3A_43, %parallel_loop3A_322, %parallel_loop3A_215] : memref<8x16x256xf32, #tpu.memory_space<vmem>>[vector<16xi32>, vector<16xi32>, vector<16xi32>], vector<16xf32>,
            %parallel_loop3A_338 = arith.mulf %parallel_loop3A_211, %parallel_loop3A_337 : vector<16xf32>
            %parallel_loop3A_339 = arith.addf %parallel_loop3A_336, %parallel_loop3A_338 : vector<16xf32>
            %parallel_loop3A_340 = tpu.vector_load_idx %arg6[%broadcast_in_dim3A_43, %parallel_loop3A_322, %parallel_loop3A_214] : memref<8x16x256xf32, #tpu.memory_space<vmem>>[vector<16xi32>, vector<16xi32>, vector<16xi32>], vector<16xf32>,
            %parallel_loop3A_341 = arith.mulf %parallel_loop3A_212, %parallel_loop3A_340 : vector<16xf32>
            %parallel_loop3A_342 = arith.addf %parallel_loop3A_339, %parallel_loop3A_341 : vector<16xf32>
            %parallel_loop3A_343 = tpu.vector_load_idx %arg6[%broadcast_in_dim3A_43, %parallel_loop3A_322, %parallel_loop3A_206] : memref<8x16x256xf32, #tpu.memory_space<vmem>>[vector<16xi32>, vector<16xi32>, vector<16xi32>], vector<16xf32>,
            %parallel_loop3A_344 = arith.mulf %parallel_loop3A_213, %parallel_loop3A_343 : vector<16xf32>
            %parallel_loop3A_345 = arith.addf %parallel_loop3A_342, %parallel_loop3A_344 : vector<16xf32>
            %parallel_loop3A_346 = arith.constant 5 : i32
            %parallel_loop3A_347 = vector.broadcast %parallel_loop3A_346 : i32 to vector<16xi32>
            %parallel_loop3A_348 = tpu.vector_load_idx %arg6[%broadcast_in_dim3A_43, %parallel_loop3A_347, %parallel_loop3A_220] : memref<8x16x256xf32, #tpu.memory_space<vmem>>[vector<16xi32>, vector<16xi32>, vector<16xi32>], vector<16xf32>,
            %parallel_loop3A_349 = arith.mulf %parallel_loop3A_167, %parallel_loop3A_348 : vector<16xf32>
            %parallel_loop3A_350 = tpu.vector_load_idx %arg6[%broadcast_in_dim3A_43, %parallel_loop3A_347, %parallel_loop3A_219] : memref<8x16x256xf32, #tpu.memory_space<vmem>>[vector<16xi32>, vector<16xi32>, vector<16xi32>], vector<16xf32>,
            %parallel_loop3A_351 = arith.mulf %parallel_loop3A_207, %parallel_loop3A_350 : vector<16xf32>
            %parallel_loop3A_352 = arith.addf %parallel_loop3A_349, %parallel_loop3A_351 : vector<16xf32>
            %parallel_loop3A_353 = tpu.vector_load_idx %arg6[%broadcast_in_dim3A_43, %parallel_loop3A_347, %parallel_loop3A_218] : memref<8x16x256xf32, #tpu.memory_space<vmem>>[vector<16xi32>, vector<16xi32>, vector<16xi32>], vector<16xf32>,
            %parallel_loop3A_354 = arith.mulf %parallel_loop3A_208, %parallel_loop3A_353 : vector<16xf32>
            %parallel_loop3A_355 = arith.addf %parallel_loop3A_352, %parallel_loop3A_354 : vector<16xf32>
            %parallel_loop3A_356 = tpu.vector_load_idx %arg6[%broadcast_in_dim3A_43, %parallel_loop3A_347, %parallel_loop3A_217] : memref<8x16x256xf32, #tpu.memory_space<vmem>>[vector<16xi32>, vector<16xi32>, vector<16xi32>], vector<16xf32>,
            %parallel_loop3A_357 = arith.mulf %parallel_loop3A_209, %parallel_loop3A_356 : vector<16xf32>
            %parallel_loop3A_358 = arith.addf %parallel_loop3A_355, %parallel_loop3A_357 : vector<16xf32>
            %parallel_loop3A_359 = tpu.vector_load_idx %arg6[%broadcast_in_dim3A_43, %parallel_loop3A_347, %parallel_loop3A_216] : memref<8x16x256xf32, #tpu.memory_space<vmem>>[vector<16xi32>, vector<16xi32>, vector<16xi32>], vector<16xf32>,
            %parallel_loop3A_360 = arith.mulf %parallel_loop3A_210, %parallel_loop3A_359 : vector<16xf32>
            %parallel_loop3A_361 = arith.addf %parallel_loop3A_358, %parallel_loop3A_360 : vector<16xf32>
            %parallel_loop3A_362 = tpu.vector_load_idx %arg6[%broadcast_in_dim3A_43, %parallel_loop3A_347, %parallel_loop3A_215] : memref<8x16x256xf32, #tpu.memory_space<vmem>>[vector<16xi32>, vector<16xi32>, vector<16xi32>], vector<16xf32>,
            %parallel_loop3A_363 = arith.mulf %parallel_loop3A_211, %parallel_loop3A_362 : vector<16xf32>
            %parallel_loop3A_364 = arith.addf %parallel_loop3A_361, %parallel_loop3A_363 : vector<16xf32>
            %parallel_loop3A_365 = tpu.vector_load_idx %arg6[%broadcast_in_dim3A_43, %parallel_loop3A_347, %parallel_loop3A_214] : memref<8x16x256xf32, #tpu.memory_space<vmem>>[vector<16xi32>, vector<16xi32>, vector<16xi32>], vector<16xf32>,
            %parallel_loop3A_366 = arith.mulf %parallel_loop3A_212, %parallel_loop3A_365 : vector<16xf32>
            %parallel_loop3A_367 = arith.addf %parallel_loop3A_364, %parallel_loop3A_366 : vector<16xf32>
            %parallel_loop3A_368 = tpu.vector_load_idx %arg6[%broadcast_in_dim3A_43, %parallel_loop3A_347, %parallel_loop3A_206] : memref<8x16x256xf32, #tpu.memory_space<vmem>>[vector<16xi32>, vector<16xi32>, vector<16xi32>], vector<16xf32>,
            %parallel_loop3A_369 = arith.mulf %parallel_loop3A_213, %parallel_loop3A_368 : vector<16xf32>
            %parallel_loop3A_370 = arith.addf %parallel_loop3A_367, %parallel_loop3A_369 : vector<16xf32>
            %parallel_loop3A_371 = arith.constant 6 : i32
            %parallel_loop3A_372 = vector.broadcast %parallel_loop3A_371 : i32 to vector<16xi32>
            %parallel_loop3A_373 = tpu.vector_load_idx %arg6[%broadcast_in_dim3A_43, %parallel_loop3A_372, %parallel_loop3A_220] : memref<8x16x256xf32, #tpu.memory_space<vmem>>[vector<16xi32>, vector<16xi32>, vector<16xi32>], vector<16xf32>,
            %parallel_loop3A_374 = arith.mulf %parallel_loop3A_167, %parallel_loop3A_373 : vector<16xf32>
            %parallel_loop3A_375 = tpu.vector_load_idx %arg6[%broadcast_in_dim3A_43, %parallel_loop3A_372, %parallel_loop3A_219] : memref<8x16x256xf32, #tpu.memory_space<vmem>>[vector<16xi32>, vector<16xi32>, vector<16xi32>], vector<16xf32>,
            %parallel_loop3A_376 = arith.mulf %parallel_loop3A_207, %parallel_loop3A_375 : vector<16xf32>
            %parallel_loop3A_377 = arith.addf %parallel_loop3A_374, %parallel_loop3A_376 : vector<16xf32>
            %parallel_loop3A_378 = tpu.vector_load_idx %arg6[%broadcast_in_dim3A_43, %parallel_loop3A_372, %parallel_loop3A_218] : memref<8x16x256xf32, #tpu.memory_space<vmem>>[vector<16xi32>, vector<16xi32>, vector<16xi32>], vector<16xf32>,
            %parallel_loop3A_379 = arith.mulf %parallel_loop3A_208, %parallel_loop3A_378 : vector<16xf32>
            %parallel_loop3A_380 = arith.addf %parallel_loop3A_377, %parallel_loop3A_379 : vector<16xf32>
            %parallel_loop3A_381 = tpu.vector_load_idx %arg6[%broadcast_in_dim3A_43, %parallel_loop3A_372, %parallel_loop3A_217] : memref<8x16x256xf32, #tpu.memory_space<vmem>>[vector<16xi32>, vector<16xi32>, vector<16xi32>], vector<16xf32>,
            %parallel_loop3A_382 = arith.mulf %parallel_loop3A_209, %parallel_loop3A_381 : vector<16xf32>
            %parallel_loop3A_383 = arith.addf %parallel_loop3A_380, %parallel_loop3A_382 : vector<16xf32>
            %parallel_loop3A_384 = tpu.vector_load_idx %arg6[%broadcast_in_dim3A_43, %parallel_loop3A_372, %parallel_loop3A_216] : memref<8x16x256xf32, #tpu.memory_space<vmem>>[vector<16xi32>, vector<16xi32>, vector<16xi32>], vector<16xf32>,
            %parallel_loop3A_385 = arith.mulf %parallel_loop3A_210, %parallel_loop3A_384 : vector<16xf32>
            %parallel_loop3A_386 = arith.addf %parallel_loop3A_383, %parallel_loop3A_385 : vector<16xf32>
            %parallel_loop3A_387 = tpu.vector_load_idx %arg6[%broadcast_in_dim3A_43, %parallel_loop3A_372, %parallel_loop3A_215] : memref<8x16x256xf32, #tpu.memory_space<vmem>>[vector<16xi32>, vector<16xi32>, vector<16xi32>], vector<16xf32>,
            %parallel_loop3A_388 = arith.mulf %parallel_loop3A_211, %parallel_loop3A_387 : vector<16xf32>
            %parallel_loop3A_389 = arith.addf %parallel_loop3A_386, %parallel_loop3A_388 : vector<16xf32>
            %parallel_loop3A_390 = tpu.vector_load_idx %arg6[%broadcast_in_dim3A_43, %parallel_loop3A_372, %parallel_loop3A_214] : memref<8x16x256xf32, #tpu.memory_space<vmem>>[vector<16xi32>, vector<16xi32>, vector<16xi32>], vector<16xf32>,
            %parallel_loop3A_391 = arith.mulf %parallel_loop3A_212, %parallel_loop3A_390 : vector<16xf32>
            %parallel_loop3A_392 = arith.addf %parallel_loop3A_389, %parallel_loop3A_391 : vector<16xf32>
            %parallel_loop3A_393 = tpu.vector_load_idx %arg6[%broadcast_in_dim3A_43, %parallel_loop3A_372, %parallel_loop3A_206] : memref<8x16x256xf32, #tpu.memory_space<vmem>>[vector<16xi32>, vector<16xi32>, vector<16xi32>], vector<16xf32>,
            %parallel_loop3A_394 = arith.mulf %parallel_loop3A_213, %parallel_loop3A_393 : vector<16xf32>
            %parallel_loop3A_395 = arith.addf %parallel_loop3A_392, %parallel_loop3A_394 : vector<16xf32>
            %parallel_loop3A_396 = arith.constant 7 : i32
            %parallel_loop3A_397 = vector.broadcast %parallel_loop3A_396 : i32 to vector<16xi32>
            %parallel_loop3A_398 = tpu.vector_load_idx %arg6[%broadcast_in_dim3A_43, %parallel_loop3A_397, %parallel_loop3A_220] : memref<8x16x256xf32, #tpu.memory_space<vmem>>[vector<16xi32>, vector<16xi32>, vector<16xi32>], vector<16xf32>,
            %parallel_loop3A_399 = arith.mulf %parallel_loop3A_167, %parallel_loop3A_398 : vector<16xf32>
            %parallel_loop3A_400 = tpu.vector_load_idx %arg6[%broadcast_in_dim3A_43, %parallel_loop3A_397, %parallel_loop3A_219] : memref<8x16x256xf32, #tpu.memory_space<vmem>>[vector<16xi32>, vector<16xi32>, vector<16xi32>], vector<16xf32>,
            %parallel_loop3A_401 = arith.mulf %parallel_loop3A_207, %parallel_loop3A_400 : vector<16xf32>
            %parallel_loop3A_402 = arith.addf %parallel_loop3A_399, %parallel_loop3A_401 : vector<16xf32>
            %parallel_loop3A_403 = tpu.vector_load_idx %arg6[%broadcast_in_dim3A_43, %parallel_loop3A_397, %parallel_loop3A_218] : memref<8x16x256xf32, #tpu.memory_space<vmem>>[vector<16xi32>, vector<16xi32>, vector<16xi32>], vector<16xf32>,
            %parallel_loop3A_404 = arith.mulf %parallel_loop3A_208, %parallel_loop3A_403 : vector<16xf32>
            %parallel_loop3A_405 = arith.addf %parallel_loop3A_402, %parallel_loop3A_404 : vector<16xf32>
            %parallel_loop3A_406 = tpu.vector_load_idx %arg6[%broadcast_in_dim3A_43, %parallel_loop3A_397, %parallel_loop3A_217] : memref<8x16x256xf32, #tpu.memory_space<vmem>>[vector<16xi32>, vector<16xi32>, vector<16xi32>], vector<16xf32>,
            %parallel_loop3A_407 = arith.mulf %parallel_loop3A_209, %parallel_loop3A_406 : vector<16xf32>
            %parallel_loop3A_408 = arith.addf %parallel_loop3A_405, %parallel_loop3A_407 : vector<16xf32>
            %parallel_loop3A_409 = tpu.vector_load_idx %arg6[%broadcast_in_dim3A_43, %parallel_loop3A_397, %parallel_loop3A_216] : memref<8x16x256xf32, #tpu.memory_space<vmem>>[vector<16xi32>, vector<16xi32>, vector<16xi32>], vector<16xf32>,
            %parallel_loop3A_410 = arith.mulf %parallel_loop3A_210, %parallel_loop3A_409 : vector<16xf32>
            %parallel_loop3A_411 = arith.addf %parallel_loop3A_408, %parallel_loop3A_410 : vector<16xf32>
            %parallel_loop3A_412 = tpu.vector_load_idx %arg6[%broadcast_in_dim3A_43, %parallel_loop3A_397, %parallel_loop3A_215] : memref<8x16x256xf32, #tpu.memory_space<vmem>>[vector<16xi32>, vector<16xi32>, vector<16xi32>], vector<16xf32>,
            %parallel_loop3A_413 = arith.mulf %parallel_loop3A_211, %parallel_loop3A_412 : vector<16xf32>
            %parallel_loop3A_414 = arith.addf %parallel_loop3A_411, %parallel_loop3A_413 : vector<16xf32>
            %parallel_loop3A_415 = tpu.vector_load_idx %arg6[%broadcast_in_dim3A_43, %parallel_loop3A_397, %parallel_loop3A_214] : memref<8x16x256xf32, #tpu.memory_space<vmem>>[vector<16xi32>, vector<16xi32>, vector<16xi32>], vector<16xf32>,
            %parallel_loop3A_416 = arith.mulf %parallel_loop3A_212, %parallel_loop3A_415 : vector<16xf32>
            %parallel_loop3A_417 = arith.addf %parallel_loop3A_414, %parallel_loop3A_416 : vector<16xf32>
            %parallel_loop3A_418 = tpu.vector_load_idx %arg6[%broadcast_in_dim3A_43, %parallel_loop3A_397, %parallel_loop3A_206] : memref<8x16x256xf32, #tpu.memory_space<vmem>>[vector<16xi32>, vector<16xi32>, vector<16xi32>], vector<16xf32>,
            %parallel_loop3A_419 = arith.mulf %parallel_loop3A_213, %parallel_loop3A_418 : vector<16xf32>
            %parallel_loop3A_420 = arith.addf %parallel_loop3A_417, %parallel_loop3A_419 : vector<16xf32>
            %parallel_loop3A_421 = arith.constant 8 : i32
            %parallel_loop3A_422 = vector.broadcast %parallel_loop3A_421 : i32 to vector<16xi32>
            %parallel_loop3A_423 = tpu.vector_load_idx %arg6[%broadcast_in_dim3A_43, %parallel_loop3A_422, %parallel_loop3A_220] : memref<8x16x256xf32, #tpu.memory_space<vmem>>[vector<16xi32>, vector<16xi32>, vector<16xi32>], vector<16xf32>,
            %parallel_loop3A_424 = arith.mulf %parallel_loop3A_167, %parallel_loop3A_423 : vector<16xf32>
            %parallel_loop3A_425 = tpu.vector_load_idx %arg6[%broadcast_in_dim3A_43, %parallel_loop3A_422, %parallel_loop3A_219] : memref<8x16x256xf32, #tpu.memory_space<vmem>>[vector<16xi32>, vector<16xi32>, vector<16xi32>], vector<16xf32>,
            %parallel_loop3A_426 = arith.mulf %parallel_loop3A_207, %parallel_loop3A_425 : vector<16xf32>
            %parallel_loop3A_427 = arith.addf %parallel_loop3A_424, %parallel_loop3A_426 : vector<16xf32>
            %parallel_loop3A_428 = tpu.vector_load_idx %arg6[%broadcast_in_dim3A_43, %parallel_loop3A_422, %parallel_loop3A_218] : memref<8x16x256xf32, #tpu.memory_space<vmem>>[vector<16xi32>, vector<16xi32>, vector<16xi32>], vector<16xf32>,
            %parallel_loop3A_429 = arith.mulf %parallel_loop3A_208, %parallel_loop3A_428 : vector<16xf32>
            %parallel_loop3A_430 = arith.addf %parallel_loop3A_427, %parallel_loop3A_429 : vector<16xf32>
            %parallel_loop3A_431 = tpu.vector_load_idx %arg6[%broadcast_in_dim3A_43, %parallel_loop3A_422, %parallel_loop3A_217] : memref<8x16x256xf32, #tpu.memory_space<vmem>>[vector<16xi32>, vector<16xi32>, vector<16xi32>], vector<16xf32>,
            %parallel_loop3A_432 = arith.mulf %parallel_loop3A_209, %parallel_loop3A_431 : vector<16xf32>
            %parallel_loop3A_433 = arith.addf %parallel_loop3A_430, %parallel_loop3A_432 : vector<16xf32>
            %parallel_loop3A_434 = tpu.vector_load_idx %arg6[%broadcast_in_dim3A_43, %parallel_loop3A_422, %parallel_loop3A_216] : memref<8x16x256xf32, #tpu.memory_space<vmem>>[vector<16xi32>, vector<16xi32>, vector<16xi32>], vector<16xf32>,
            %parallel_loop3A_435 = arith.mulf %parallel_loop3A_210, %parallel_loop3A_434 : vector<16xf32>
            %parallel_loop3A_436 = arith.addf %parallel_loop3A_433, %parallel_loop3A_435 : vector<16xf32>
            %parallel_loop3A_437 = tpu.vector_load_idx %arg6[%broadcast_in_dim3A_43, %parallel_loop3A_422, %parallel_loop3A_215] : memref<8x16x256xf32, #tpu.memory_space<vmem>>[vector<16xi32>, vector<16xi32>, vector<16xi32>], vector<16xf32>,
            %parallel_loop3A_438 = arith.mulf %parallel_loop3A_211, %parallel_loop3A_437 : vector<16xf32>
            %parallel_loop3A_439 = arith.addf %parallel_loop3A_436, %parallel_loop3A_438 : vector<16xf32>
            %parallel_loop3A_440 = tpu.vector_load_idx %arg6[%broadcast_in_dim3A_43, %parallel_loop3A_422, %parallel_loop3A_214] : memref<8x16x256xf32, #tpu.memory_space<vmem>>[vector<16xi32>, vector<16xi32>, vector<16xi32>], vector<16xf32>,
            %parallel_loop3A_441 = arith.mulf %parallel_loop3A_212, %parallel_loop3A_440 : vector<16xf32>
            %parallel_loop3A_442 = arith.addf %parallel_loop3A_439, %parallel_loop3A_441 : vector<16xf32>
            %parallel_loop3A_443 = tpu.vector_load_idx %arg6[%broadcast_in_dim3A_43, %parallel_loop3A_422, %parallel_loop3A_206] : memref<8x16x256xf32, #tpu.memory_space<vmem>>[vector<16xi32>, vector<16xi32>, vector<16xi32>], vector<16xf32>,
            %parallel_loop3A_444 = arith.mulf %parallel_loop3A_213, %parallel_loop3A_443 : vector<16xf32>
            %parallel_loop3A_445 = arith.addf %parallel_loop3A_442, %parallel_loop3A_444 : vector<16xf32>
            %parallel_loop3A_446 = arith.constant 9 : i32
            %parallel_loop3A_447 = vector.broadcast %parallel_loop3A_446 : i32 to vector<16xi32>
            %parallel_loop3A_448 = tpu.vector_load_idx %arg6[%broadcast_in_dim3A_43, %parallel_loop3A_447, %parallel_loop3A_220] : memref<8x16x256xf32, #tpu.memory_space<vmem>>[vector<16xi32>, vector<16xi32>, vector<16xi32>], vector<16xf32>,
            %parallel_loop3A_449 = arith.mulf %parallel_loop3A_167, %parallel_loop3A_448 : vector<16xf32>
            %parallel_loop3A_450 = tpu.vector_load_idx %arg6[%broadcast_in_dim3A_43, %parallel_loop3A_447, %parallel_loop3A_219] : memref<8x16x256xf32, #tpu.memory_space<vmem>>[vector<16xi32>, vector<16xi32>, vector<16xi32>], vector<16xf32>,
            %parallel_loop3A_451 = arith.mulf %parallel_loop3A_207, %parallel_loop3A_450 : vector<16xf32>
            %parallel_loop3A_452 = arith.addf %parallel_loop3A_449, %parallel_loop3A_451 : vector<16xf32>
            %parallel_loop3A_453 = tpu.vector_load_idx %arg6[%broadcast_in_dim3A_43, %parallel_loop3A_447, %parallel_loop3A_218] : memref<8x16x256xf32, #tpu.memory_space<vmem>>[vector<16xi32>, vector<16xi32>, vector<16xi32>], vector<16xf32>,
            %parallel_loop3A_454 = arith.mulf %parallel_loop3A_208, %parallel_loop3A_453 : vector<16xf32>
            %parallel_loop3A_455 = arith.addf %parallel_loop3A_452, %parallel_loop3A_454 : vector<16xf32>
            %parallel_loop3A_456 = tpu.vector_load_idx %arg6[%broadcast_in_dim3A_43, %parallel_loop3A_447, %parallel_loop3A_217] : memref<8x16x256xf32, #tpu.memory_space<vmem>>[vector<16xi32>, vector<16xi32>, vector<16xi32>], vector<16xf32>,
            %parallel_loop3A_457 = arith.mulf %parallel_loop3A_209, %parallel_loop3A_456 : vector<16xf32>
            %parallel_loop3A_458 = arith.addf %parallel_loop3A_455, %parallel_loop3A_457 : vector<16xf32>
            %parallel_loop3A_459 = tpu.vector_load_idx %arg6[%broadcast_in_dim3A_43, %parallel_loop3A_447, %parallel_loop3A_216] : memref<8x16x256xf32, #tpu.memory_space<vmem>>[vector<16xi32>, vector<16xi32>, vector<16xi32>], vector<16xf32>,
            %parallel_loop3A_460 = arith.mulf %parallel_loop3A_210, %parallel_loop3A_459 : vector<16xf32>
            %parallel_loop3A_461 = arith.addf %parallel_loop3A_458, %parallel_loop3A_460 : vector<16xf32>
            %parallel_loop3A_462 = tpu.vector_load_idx %arg6[%broadcast_in_dim3A_43, %parallel_loop3A_447, %parallel_loop3A_215] : memref<8x16x256xf32, #tpu.memory_space<vmem>>[vector<16xi32>, vector<16xi32>, vector<16xi32>], vector<16xf32>,
            %parallel_loop3A_463 = arith.mulf %parallel_loop3A_211, %parallel_loop3A_462 : vector<16xf32>
            %parallel_loop3A_464 = arith.addf %parallel_loop3A_461, %parallel_loop3A_463 : vector<16xf32>
            %parallel_loop3A_465 = tpu.vector_load_idx %arg6[%broadcast_in_dim3A_43, %parallel_loop3A_447, %parallel_loop3A_214] : memref<8x16x256xf32, #tpu.memory_space<vmem>>[vector<16xi32>, vector<16xi32>, vector<16xi32>], vector<16xf32>,
            %parallel_loop3A_466 = arith.mulf %parallel_loop3A_212, %parallel_loop3A_465 : vector<16xf32>
            %parallel_loop3A_467 = arith.addf %parallel_loop3A_464, %parallel_loop3A_466 : vector<16xf32>
            %parallel_loop3A_468 = tpu.vector_load_idx %arg6[%broadcast_in_dim3A_43, %parallel_loop3A_447, %parallel_loop3A_206] : memref<8x16x256xf32, #tpu.memory_space<vmem>>[vector<16xi32>, vector<16xi32>, vector<16xi32>], vector<16xf32>,
            %parallel_loop3A_469 = arith.mulf %parallel_loop3A_213, %parallel_loop3A_468 : vector<16xf32>
            %parallel_loop3A_470 = arith.addf %parallel_loop3A_467, %parallel_loop3A_469 : vector<16xf32>
            %parallel_loop3A_471 = arith.constant 10 : i32
            %parallel_loop3A_472 = vector.broadcast %parallel_loop3A_471 : i32 to vector<16xi32>
            %parallel_loop3A_473 = tpu.vector_load_idx %arg6[%broadcast_in_dim3A_43, %parallel_loop3A_472, %parallel_loop3A_220] : memref<8x16x256xf32, #tpu.memory_space<vmem>>[vector<16xi32>, vector<16xi32>, vector<16xi32>], vector<16xf32>,
            %parallel_loop3A_474 = arith.mulf %parallel_loop3A_167, %parallel_loop3A_473 : vector<16xf32>
            %parallel_loop3A_475 = tpu.vector_load_idx %arg6[%broadcast_in_dim3A_43, %parallel_loop3A_472, %parallel_loop3A_219] : memref<8x16x256xf32, #tpu.memory_space<vmem>>[vector<16xi32>, vector<16xi32>, vector<16xi32>], vector<16xf32>,
            %parallel_loop3A_476 = arith.mulf %parallel_loop3A_207, %parallel_loop3A_475 : vector<16xf32>
            %parallel_loop3A_477 = arith.addf %parallel_loop3A_474, %parallel_loop3A_476 : vector<16xf32>
            %parallel_loop3A_478 = tpu.vector_load_idx %arg6[%broadcast_in_dim3A_43, %parallel_loop3A_472, %parallel_loop3A_218] : memref<8x16x256xf32, #tpu.memory_space<vmem>>[vector<16xi32>, vector<16xi32>, vector<16xi32>], vector<16xf32>,
            %parallel_loop3A_479 = arith.mulf %parallel_loop3A_208, %parallel_loop3A_478 : vector<16xf32>
            %parallel_loop3A_480 = arith.addf %parallel_loop3A_477, %parallel_loop3A_479 : vector<16xf32>
            %parallel_loop3A_481 = tpu.vector_load_idx %arg6[%broadcast_in_dim3A_43, %parallel_loop3A_472, %parallel_loop3A_217] : memref<8x16x256xf32, #tpu.memory_space<vmem>>[vector<16xi32>, vector<16xi32>, vector<16xi32>], vector<16xf32>,
            %parallel_loop3A_482 = arith.mulf %parallel_loop3A_209, %parallel_loop3A_481 : vector<16xf32>
            %parallel_loop3A_483 = arith.addf %parallel_loop3A_480, %parallel_loop3A_482 : vector<16xf32>
            %parallel_loop3A_484 = tpu.vector_load_idx %arg6[%broadcast_in_dim3A_43, %parallel_loop3A_472, %parallel_loop3A_216] : memref<8x16x256xf32, #tpu.memory_space<vmem>>[vector<16xi32>, vector<16xi32>, vector<16xi32>], vector<16xf32>,
            %parallel_loop3A_485 = arith.mulf %parallel_loop3A_210, %parallel_loop3A_484 : vector<16xf32>
            %parallel_loop3A_486 = arith.addf %parallel_loop3A_483, %parallel_loop3A_485 : vector<16xf32>
            %parallel_loop3A_487 = tpu.vector_load_idx %arg6[%broadcast_in_dim3A_43, %parallel_loop3A_472, %parallel_loop3A_215] : memref<8x16x256xf32, #tpu.memory_space<vmem>>[vector<16xi32>, vector<16xi32>, vector<16xi32>], vector<16xf32>,
            %parallel_loop3A_488 = arith.mulf %parallel_loop3A_211, %parallel_loop3A_487 : vector<16xf32>
            %parallel_loop3A_489 = arith.addf %parallel_loop3A_486, %parallel_loop3A_488 : vector<16xf32>
            %parallel_loop3A_490 = tpu.vector_load_idx %arg6[%broadcast_in_dim3A_43, %parallel_loop3A_472, %parallel_loop3A_214] : memref<8x16x256xf32, #tpu.memory_space<vmem>>[vector<16xi32>, vector<16xi32>, vector<16xi32>], vector<16xf32>,
            %parallel_loop3A_491 = arith.mulf %parallel_loop3A_212, %parallel_loop3A_490 : vector<16xf32>
            %parallel_loop3A_492 = arith.addf %parallel_loop3A_489, %parallel_loop3A_491 : vector<16xf32>
            %parallel_loop3A_493 = tpu.vector_load_idx %arg6[%broadcast_in_dim3A_43, %parallel_loop3A_472, %parallel_loop3A_206] : memref<8x16x256xf32, #tpu.memory_space<vmem>>[vector<16xi32>, vector<16xi32>, vector<16xi32>], vector<16xf32>,
            %parallel_loop3A_494 = arith.mulf %parallel_loop3A_213, %parallel_loop3A_493 : vector<16xf32>
            %parallel_loop3A_495 = arith.addf %parallel_loop3A_492, %parallel_loop3A_494 : vector<16xf32>
            %parallel_loop3A_496 = arith.constant 11 : i32
            %parallel_loop3A_497 = vector.broadcast %parallel_loop3A_496 : i32 to vector<16xi32>
            %parallel_loop3A_498 = tpu.vector_load_idx %arg6[%broadcast_in_dim3A_43, %parallel_loop3A_497, %parallel_loop3A_220] : memref<8x16x256xf32, #tpu.memory_space<vmem>>[vector<16xi32>, vector<16xi32>, vector<16xi32>], vector<16xf32>,
            %parallel_loop3A_499 = arith.mulf %parallel_loop3A_167, %parallel_loop3A_498 : vector<16xf32>
            %parallel_loop3A_500 = tpu.vector_load_idx %arg6[%broadcast_in_dim3A_43, %parallel_loop3A_497, %parallel_loop3A_219] : memref<8x16x256xf32, #tpu.memory_space<vmem>>[vector<16xi32>, vector<16xi32>, vector<16xi32>], vector<16xf32>,
            %parallel_loop3A_501 = arith.mulf %parallel_loop3A_207, %parallel_loop3A_500 : vector<16xf32>
            %parallel_loop3A_502 = arith.addf %parallel_loop3A_499, %parallel_loop3A_501 : vector<16xf32>
            %parallel_loop3A_503 = tpu.vector_load_idx %arg6[%broadcast_in_dim3A_43, %parallel_loop3A_497, %parallel_loop3A_218] : memref<8x16x256xf32, #tpu.memory_space<vmem>>[vector<16xi32>, vector<16xi32>, vector<16xi32>], vector<16xf32>,
            %parallel_loop3A_504 = arith.mulf %parallel_loop3A_208, %parallel_loop3A_503 : vector<16xf32>
            %parallel_loop3A_505 = arith.addf %parallel_loop3A_502, %parallel_loop3A_504 : vector<16xf32>
            %parallel_loop3A_506 = tpu.vector_load_idx %arg6[%broadcast_in_dim3A_43, %parallel_loop3A_497, %parallel_loop3A_217] : memref<8x16x256xf32, #tpu.memory_space<vmem>>[vector<16xi32>, vector<16xi32>, vector<16xi32>], vector<16xf32>,
            %parallel_loop3A_507 = arith.mulf %parallel_loop3A_209, %parallel_loop3A_506 : vector<16xf32>
            %parallel_loop3A_508 = arith.addf %parallel_loop3A_505, %parallel_loop3A_507 : vector<16xf32>
            %parallel_loop3A_509 = tpu.vector_load_idx %arg6[%broadcast_in_dim3A_43, %parallel_loop3A_497, %parallel_loop3A_216] : memref<8x16x256xf32, #tpu.memory_space<vmem>>[vector<16xi32>, vector<16xi32>, vector<16xi32>], vector<16xf32>,
            %parallel_loop3A_510 = arith.mulf %parallel_loop3A_210, %parallel_loop3A_509 : vector<16xf32>
            %parallel_loop3A_511 = arith.addf %parallel_loop3A_508, %parallel_loop3A_510 : vector<16xf32>
            %parallel_loop3A_512 = tpu.vector_load_idx %arg6[%broadcast_in_dim3A_43, %parallel_loop3A_497, %parallel_loop3A_215] : memref<8x16x256xf32, #tpu.memory_space<vmem>>[vector<16xi32>, vector<16xi32>, vector<16xi32>], vector<16xf32>,
            %parallel_loop3A_513 = arith.mulf %parallel_loop3A_211, %parallel_loop3A_512 : vector<16xf32>
            %parallel_loop3A_514 = arith.addf %parallel_loop3A_511, %parallel_loop3A_513 : vector<16xf32>
            %parallel_loop3A_515 = tpu.vector_load_idx %arg6[%broadcast_in_dim3A_43, %parallel_loop3A_497, %parallel_loop3A_214] : memref<8x16x256xf32, #tpu.memory_space<vmem>>[vector<16xi32>, vector<16xi32>, vector<16xi32>], vector<16xf32>,
            %parallel_loop3A_516 = arith.mulf %parallel_loop3A_212, %parallel_loop3A_515 : vector<16xf32>
            %parallel_loop3A_517 = arith.addf %parallel_loop3A_514, %parallel_loop3A_516 : vector<16xf32>
            %parallel_loop3A_518 = tpu.vector_load_idx %arg6[%broadcast_in_dim3A_43, %parallel_loop3A_497, %parallel_loop3A_206] : memref<8x16x256xf32, #tpu.memory_space<vmem>>[vector<16xi32>, vector<16xi32>, vector<16xi32>], vector<16xf32>,
            %parallel_loop3A_519 = arith.mulf %parallel_loop3A_213, %parallel_loop3A_518 : vector<16xf32>
            %parallel_loop3A_520 = arith.addf %parallel_loop3A_517, %parallel_loop3A_519 : vector<16xf32>
            %parallel_loop3A_521 = arith.constant 12 : i32
            %parallel_loop3A_522 = vector.broadcast %parallel_loop3A_521 : i32 to vector<16xi32>
            %parallel_loop3A_523 = tpu.vector_load_idx %arg6[%broadcast_in_dim3A_43, %parallel_loop3A_522, %parallel_loop3A_220] : memref<8x16x256xf32, #tpu.memory_space<vmem>>[vector<16xi32>, vector<16xi32>, vector<16xi32>], vector<16xf32>,
            %parallel_loop3A_524 = arith.mulf %parallel_loop3A_167, %parallel_loop3A_523 : vector<16xf32>
            %parallel_loop3A_525 = tpu.vector_load_idx %arg6[%broadcast_in_dim3A_43, %parallel_loop3A_522, %parallel_loop3A_219] : memref<8x16x256xf32, #tpu.memory_space<vmem>>[vector<16xi32>, vector<16xi32>, vector<16xi32>], vector<16xf32>,
            %parallel_loop3A_526 = arith.mulf %parallel_loop3A_207, %parallel_loop3A_525 : vector<16xf32>
            %parallel_loop3A_527 = arith.addf %parallel_loop3A_524, %parallel_loop3A_526 : vector<16xf32>
            %parallel_loop3A_528 = tpu.vector_load_idx %arg6[%broadcast_in_dim3A_43, %parallel_loop3A_522, %parallel_loop3A_218] : memref<8x16x256xf32, #tpu.memory_space<vmem>>[vector<16xi32>, vector<16xi32>, vector<16xi32>], vector<16xf32>,
            %parallel_loop3A_529 = arith.mulf %parallel_loop3A_208, %parallel_loop3A_528 : vector<16xf32>
            %parallel_loop3A_530 = arith.addf %parallel_loop3A_527, %parallel_loop3A_529 : vector<16xf32>
            %parallel_loop3A_531 = tpu.vector_load_idx %arg6[%broadcast_in_dim3A_43, %parallel_loop3A_522, %parallel_loop3A_217] : memref<8x16x256xf32, #tpu.memory_space<vmem>>[vector<16xi32>, vector<16xi32>, vector<16xi32>], vector<16xf32>,
            %parallel_loop3A_532 = arith.mulf %parallel_loop3A_209, %parallel_loop3A_531 : vector<16xf32>
            %parallel_loop3A_533 = arith.addf %parallel_loop3A_530, %parallel_loop3A_532 : vector<16xf32>
            %parallel_loop3A_534 = tpu.vector_load_idx %arg6[%broadcast_in_dim3A_43, %parallel_loop3A_522, %parallel_loop3A_216] : memref<8x16x256xf32, #tpu.memory_space<vmem>>[vector<16xi32>, vector<16xi32>, vector<16xi32>], vector<16xf32>,
            %parallel_loop3A_535 = arith.mulf %parallel_loop3A_210, %parallel_loop3A_534 : vector<16xf32>
            %parallel_loop3A_536 = arith.addf %parallel_loop3A_533, %parallel_loop3A_535 : vector<16xf32>
            %parallel_loop3A_537 = tpu.vector_load_idx %arg6[%broadcast_in_dim3A_43, %parallel_loop3A_522, %parallel_loop3A_215] : memref<8x16x256xf32, #tpu.memory_space<vmem>>[vector<16xi32>, vector<16xi32>, vector<16xi32>], vector<16xf32>,
            %parallel_loop3A_538 = arith.mulf %parallel_loop3A_211, %parallel_loop3A_537 : vector<16xf32>
            %parallel_loop3A_539 = arith.addf %parallel_loop3A_536, %parallel_loop3A_538 : vector<16xf32>
            %parallel_loop3A_540 = tpu.vector_load_idx %arg6[%broadcast_in_dim3A_43, %parallel_loop3A_522, %parallel_loop3A_214] : memref<8x16x256xf32, #tpu.memory_space<vmem>>[vector<16xi32>, vector<16xi32>, vector<16xi32>], vector<16xf32>,
            %parallel_loop3A_541 = arith.mulf %parallel_loop3A_212, %parallel_loop3A_540 : vector<16xf32>
            %parallel_loop3A_542 = arith.addf %parallel_loop3A_539, %parallel_loop3A_541 : vector<16xf32>
            %parallel_loop3A_543 = tpu.vector_load_idx %arg6[%broadcast_in_dim3A_43, %parallel_loop3A_522, %parallel_loop3A_206] : memref<8x16x256xf32, #tpu.memory_space<vmem>>[vector<16xi32>, vector<16xi32>, vector<16xi32>], vector<16xf32>,
            %parallel_loop3A_544 = arith.mulf %parallel_loop3A_213, %parallel_loop3A_543 : vector<16xf32>
            %parallel_loop3A_545 = arith.addf %parallel_loop3A_542, %parallel_loop3A_544 : vector<16xf32>
            %parallel_loop3A_546 = arith.constant 13 : i32
            %parallel_loop3A_547 = vector.broadcast %parallel_loop3A_546 : i32 to vector<16xi32>
            %parallel_loop3A_548 = tpu.vector_load_idx %arg6[%broadcast_in_dim3A_43, %parallel_loop3A_547, %parallel_loop3A_220] : memref<8x16x256xf32, #tpu.memory_space<vmem>>[vector<16xi32>, vector<16xi32>, vector<16xi32>], vector<16xf32>,
            %parallel_loop3A_549 = arith.mulf %parallel_loop3A_167, %parallel_loop3A_548 : vector<16xf32>
            %parallel_loop3A_550 = tpu.vector_load_idx %arg6[%broadcast_in_dim3A_43, %parallel_loop3A_547, %parallel_loop3A_219] : memref<8x16x256xf32, #tpu.memory_space<vmem>>[vector<16xi32>, vector<16xi32>, vector<16xi32>], vector<16xf32>,
            %parallel_loop3A_551 = arith.mulf %parallel_loop3A_207, %parallel_loop3A_550 : vector<16xf32>
            %parallel_loop3A_552 = arith.addf %parallel_loop3A_549, %parallel_loop3A_551 : vector<16xf32>
            %parallel_loop3A_553 = tpu.vector_load_idx %arg6[%broadcast_in_dim3A_43, %parallel_loop3A_547, %parallel_loop3A_218] : memref<8x16x256xf32, #tpu.memory_space<vmem>>[vector<16xi32>, vector<16xi32>, vector<16xi32>], vector<16xf32>,
            %parallel_loop3A_554 = arith.mulf %parallel_loop3A_208, %parallel_loop3A_553 : vector<16xf32>
            %parallel_loop3A_555 = arith.addf %parallel_loop3A_552, %parallel_loop3A_554 : vector<16xf32>
            %parallel_loop3A_556 = tpu.vector_load_idx %arg6[%broadcast_in_dim3A_43, %parallel_loop3A_547, %parallel_loop3A_217] : memref<8x16x256xf32, #tpu.memory_space<vmem>>[vector<16xi32>, vector<16xi32>, vector<16xi32>], vector<16xf32>,
            %parallel_loop3A_557 = arith.mulf %parallel_loop3A_209, %parallel_loop3A_556 : vector<16xf32>
            %parallel_loop3A_558 = arith.addf %parallel_loop3A_555, %parallel_loop3A_557 : vector<16xf32>
            %parallel_loop3A_559 = tpu.vector_load_idx %arg6[%broadcast_in_dim3A_43, %parallel_loop3A_547, %parallel_loop3A_216] : memref<8x16x256xf32, #tpu.memory_space<vmem>>[vector<16xi32>, vector<16xi32>, vector<16xi32>], vector<16xf32>,
            %parallel_loop3A_560 = arith.mulf %parallel_loop3A_210, %parallel_loop3A_559 : vector<16xf32>
            %parallel_loop3A_561 = arith.addf %parallel_loop3A_558, %parallel_loop3A_560 : vector<16xf32>
            %parallel_loop3A_562 = tpu.vector_load_idx %arg6[%broadcast_in_dim3A_43, %parallel_loop3A_547, %parallel_loop3A_215] : memref<8x16x256xf32, #tpu.memory_space<vmem>>[vector<16xi32>, vector<16xi32>, vector<16xi32>], vector<16xf32>,
            %parallel_loop3A_563 = arith.mulf %parallel_loop3A_211, %parallel_loop3A_562 : vector<16xf32>
            %parallel_loop3A_564 = arith.addf %parallel_loop3A_561, %parallel_loop3A_563 : vector<16xf32>
            %parallel_loop3A_565 = tpu.vector_load_idx %arg6[%broadcast_in_dim3A_43, %parallel_loop3A_547, %parallel_loop3A_214] : memref<8x16x256xf32, #tpu.memory_space<vmem>>[vector<16xi32>, vector<16xi32>, vector<16xi32>], vector<16xf32>,
            %parallel_loop3A_566 = arith.mulf %parallel_loop3A_212, %parallel_loop3A_565 : vector<16xf32>
            %parallel_loop3A_567 = arith.addf %parallel_loop3A_564, %parallel_loop3A_566 : vector<16xf32>
            %parallel_loop3A_568 = tpu.vector_load_idx %arg6[%broadcast_in_dim3A_43, %parallel_loop3A_547, %parallel_loop3A_206] : memref<8x16x256xf32, #tpu.memory_space<vmem>>[vector<16xi32>, vector<16xi32>, vector<16xi32>], vector<16xf32>,
            %parallel_loop3A_569 = arith.mulf %parallel_loop3A_213, %parallel_loop3A_568 : vector<16xf32>
            %parallel_loop3A_570 = arith.addf %parallel_loop3A_567, %parallel_loop3A_569 : vector<16xf32>
            %parallel_loop3A_571 = arith.constant 14 : i32
            %parallel_loop3A_572 = vector.broadcast %parallel_loop3A_571 : i32 to vector<16xi32>
            %parallel_loop3A_573 = tpu.vector_load_idx %arg6[%broadcast_in_dim3A_43, %parallel_loop3A_572, %parallel_loop3A_220] : memref<8x16x256xf32, #tpu.memory_space<vmem>>[vector<16xi32>, vector<16xi32>, vector<16xi32>], vector<16xf32>,
            %parallel_loop3A_574 = arith.mulf %parallel_loop3A_167, %parallel_loop3A_573 : vector<16xf32>
            %parallel_loop3A_575 = tpu.vector_load_idx %arg6[%broadcast_in_dim3A_43, %parallel_loop3A_572, %parallel_loop3A_219] : memref<8x16x256xf32, #tpu.memory_space<vmem>>[vector<16xi32>, vector<16xi32>, vector<16xi32>], vector<16xf32>,
            %parallel_loop3A_576 = arith.mulf %parallel_loop3A_207, %parallel_loop3A_575 : vector<16xf32>
            %parallel_loop3A_577 = arith.addf %parallel_loop3A_574, %parallel_loop3A_576 : vector<16xf32>
            %parallel_loop3A_578 = tpu.vector_load_idx %arg6[%broadcast_in_dim3A_43, %parallel_loop3A_572, %parallel_loop3A_218] : memref<8x16x256xf32, #tpu.memory_space<vmem>>[vector<16xi32>, vector<16xi32>, vector<16xi32>], vector<16xf32>,
            %parallel_loop3A_579 = arith.mulf %parallel_loop3A_208, %parallel_loop3A_578 : vector<16xf32>
            %parallel_loop3A_580 = arith.addf %parallel_loop3A_577, %parallel_loop3A_579 : vector<16xf32>
            %parallel_loop3A_581 = tpu.vector_load_idx %arg6[%broadcast_in_dim3A_43, %parallel_loop3A_572, %parallel_loop3A_217] : memref<8x16x256xf32, #tpu.memory_space<vmem>>[vector<16xi32>, vector<16xi32>, vector<16xi32>], vector<16xf32>,
            %parallel_loop3A_582 = arith.mulf %parallel_loop3A_209, %parallel_loop3A_581 : vector<16xf32>
            %parallel_loop3A_583 = arith.addf %parallel_loop3A_580, %parallel_loop3A_582 : vector<16xf32>
            %parallel_loop3A_584 = tpu.vector_load_idx %arg6[%broadcast_in_dim3A_43, %parallel_loop3A_572, %parallel_loop3A_216] : memref<8x16x256xf32, #tpu.memory_space<vmem>>[vector<16xi32>, vector<16xi32>, vector<16xi32>], vector<16xf32>,
            %parallel_loop3A_585 = arith.mulf %parallel_loop3A_210, %parallel_loop3A_584 : vector<16xf32>
            %parallel_loop3A_586 = arith.addf %parallel_loop3A_583, %parallel_loop3A_585 : vector<16xf32>
            %parallel_loop3A_587 = tpu.vector_load_idx %arg6[%broadcast_in_dim3A_43, %parallel_loop3A_572, %parallel_loop3A_215] : memref<8x16x256xf32, #tpu.memory_space<vmem>>[vector<16xi32>, vector<16xi32>, vector<16xi32>], vector<16xf32>,
            %parallel_loop3A_588 = arith.mulf %parallel_loop3A_211, %parallel_loop3A_587 : vector<16xf32>
            %parallel_loop3A_589 = arith.addf %parallel_loop3A_586, %parallel_loop3A_588 : vector<16xf32>
            %parallel_loop3A_590 = tpu.vector_load_idx %arg6[%broadcast_in_dim3A_43, %parallel_loop3A_572, %parallel_loop3A_214] : memref<8x16x256xf32, #tpu.memory_space<vmem>>[vector<16xi32>, vector<16xi32>, vector<16xi32>], vector<16xf32>,
            %parallel_loop3A_591 = arith.mulf %parallel_loop3A_212, %parallel_loop3A_590 : vector<16xf32>
            %parallel_loop3A_592 = arith.addf %parallel_loop3A_589, %parallel_loop3A_591 : vector<16xf32>
            %parallel_loop3A_593 = tpu.vector_load_idx %arg6[%broadcast_in_dim3A_43, %parallel_loop3A_572, %parallel_loop3A_206] : memref<8x16x256xf32, #tpu.memory_space<vmem>>[vector<16xi32>, vector<16xi32>, vector<16xi32>], vector<16xf32>,
            %parallel_loop3A_594 = arith.mulf %parallel_loop3A_213, %parallel_loop3A_593 : vector<16xf32>
            %parallel_loop3A_595 = arith.addf %parallel_loop3A_592, %parallel_loop3A_594 : vector<16xf32>
            %parallel_loop3A_596 = arith.constant 15 : i32
            %parallel_loop3A_597 = vector.broadcast %parallel_loop3A_596 : i32 to vector<16xi32>
            %parallel_loop3A_598 = tpu.vector_load_idx %arg6[%broadcast_in_dim3A_43, %parallel_loop3A_597, %parallel_loop3A_220] : memref<8x16x256xf32, #tpu.memory_space<vmem>>[vector<16xi32>, vector<16xi32>, vector<16xi32>], vector<16xf32>,
            %parallel_loop3A_599 = arith.mulf %parallel_loop3A_167, %parallel_loop3A_598 : vector<16xf32>
            %parallel_loop3A_600 = tpu.vector_load_idx %arg6[%broadcast_in_dim3A_43, %parallel_loop3A_597, %parallel_loop3A_219] : memref<8x16x256xf32, #tpu.memory_space<vmem>>[vector<16xi32>, vector<16xi32>, vector<16xi32>], vector<16xf32>,
            %parallel_loop3A_601 = arith.mulf %parallel_loop3A_207, %parallel_loop3A_600 : vector<16xf32>
            %parallel_loop3A_602 = arith.addf %parallel_loop3A_599, %parallel_loop3A_601 : vector<16xf32>
            %parallel_loop3A_603 = tpu.vector_load_idx %arg6[%broadcast_in_dim3A_43, %parallel_loop3A_597, %parallel_loop3A_218] : memref<8x16x256xf32, #tpu.memory_space<vmem>>[vector<16xi32>, vector<16xi32>, vector<16xi32>], vector<16xf32>,
            %parallel_loop3A_604 = arith.mulf %parallel_loop3A_208, %parallel_loop3A_603 : vector<16xf32>
            %parallel_loop3A_605 = arith.addf %parallel_loop3A_602, %parallel_loop3A_604 : vector<16xf32>
            %parallel_loop3A_606 = tpu.vector_load_idx %arg6[%broadcast_in_dim3A_43, %parallel_loop3A_597, %parallel_loop3A_217] : memref<8x16x256xf32, #tpu.memory_space<vmem>>[vector<16xi32>, vector<16xi32>, vector<16xi32>], vector<16xf32>,
            %parallel_loop3A_607 = arith.mulf %parallel_loop3A_209, %parallel_loop3A_606 : vector<16xf32>
            %parallel_loop3A_608 = arith.addf %parallel_loop3A_605, %parallel_loop3A_607 : vector<16xf32>
            %parallel_loop3A_609 = tpu.vector_load_idx %arg6[%broadcast_in_dim3A_43, %parallel_loop3A_597, %parallel_loop3A_216] : memref<8x16x256xf32, #tpu.memory_space<vmem>>[vector<16xi32>, vector<16xi32>, vector<16xi32>], vector<16xf32>,
            %parallel_loop3A_610 = arith.mulf %parallel_loop3A_210, %parallel_loop3A_609 : vector<16xf32>
            %parallel_loop3A_611 = arith.addf %parallel_loop3A_608, %parallel_loop3A_610 : vector<16xf32>
            %parallel_loop3A_612 = tpu.vector_load_idx %arg6[%broadcast_in_dim3A_43, %parallel_loop3A_597, %parallel_loop3A_215] : memref<8x16x256xf32, #tpu.memory_space<vmem>>[vector<16xi32>, vector<16xi32>, vector<16xi32>], vector<16xf32>,
            %parallel_loop3A_613 = arith.mulf %parallel_loop3A_211, %parallel_loop3A_612 : vector<16xf32>
            %parallel_loop3A_614 = arith.addf %parallel_loop3A_611, %parallel_loop3A_613 : vector<16xf32>
            %parallel_loop3A_615 = tpu.vector_load_idx %arg6[%broadcast_in_dim3A_43, %parallel_loop3A_597, %parallel_loop3A_214] : memref<8x16x256xf32, #tpu.memory_space<vmem>>[vector<16xi32>, vector<16xi32>, vector<16xi32>], vector<16xf32>,
            %parallel_loop3A_616 = arith.mulf %parallel_loop3A_212, %parallel_loop3A_615 : vector<16xf32>
            %parallel_loop3A_617 = arith.addf %parallel_loop3A_614, %parallel_loop3A_616 : vector<16xf32>
            %parallel_loop3A_618 = tpu.vector_load_idx %arg6[%broadcast_in_dim3A_43, %parallel_loop3A_597, %parallel_loop3A_206] : memref<8x16x256xf32, #tpu.memory_space<vmem>>[vector<16xi32>, vector<16xi32>, vector<16xi32>], vector<16xf32>,
            %parallel_loop3A_619 = arith.mulf %parallel_loop3A_213, %parallel_loop3A_618 : vector<16xf32>
            %parallel_loop3A_620 = arith.addf %parallel_loop3A_617, %parallel_loop3A_619 : vector<16xf32>
            %parallel_loop3A_621 = arith.constant 0 : i32
            %parallel_loop3A_622 = arith.addi %mul3A_42, %parallel_loop3A_621 : i32
            %parallel_loop3A_623 = arith.index_cast %parallel_loop3A_622 : i32 to index
            %parallel_loop3A_624 = arith.index_cast %parallel_loop3A_48 : i32 to index
            %parallel_loop3A_625 = tpu.vector_load %arg7[%parallel_loop3A_623, %parallel_loop3A_624] {strides = array<i32>} : memref<128x256xf32, #tpu.memory_space<vmem>>, vector<16xf32>,
            tpu.vector_store %arg7[%parallel_loop3A_623, %parallel_loop3A_624], %parallel_loop3A_245 {strides = array<i32>} : memref<128x256xf32, #tpu.memory_space<vmem>>, vector<16xf32>,
            %parallel_loop3A_626 = arith.constant 1 : i32
            %parallel_loop3A_627 = arith.addi %mul3A_42, %parallel_loop3A_626 : i32
            %parallel_loop3A_628 = arith.index_cast %parallel_loop3A_627 : i32 to index
            %parallel_loop3A_629 = arith.index_cast %parallel_loop3A_48 : i32 to index
            %parallel_loop3A_630 = tpu.vector_load %arg7[%parallel_loop3A_628, %parallel_loop3A_629] {strides = array<i32>} : memref<128x256xf32, #tpu.memory_space<vmem>>, vector<16xf32>,
            tpu.vector_store %arg7[%parallel_loop3A_628, %parallel_loop3A_629], %parallel_loop3A_270 {strides = array<i32>} : memref<128x256xf32, #tpu.memory_space<vmem>>, vector<16xf32>,
            %parallel_loop3A_631 = arith.constant 2 : i32
            %parallel_loop3A_632 = arith.addi %mul3A_42, %parallel_loop3A_631 : i32
            %parallel_loop3A_633 = arith.index_cast %parallel_loop3A_632 : i32 to index
            %parallel_loop3A_634 = arith.index_cast %parallel_loop3A_48 : i32 to index
            %parallel_loop3A_635 = tpu.vector_load %arg7[%parallel_loop3A_633, %parallel_loop3A_634] {strides = array<i32>} : memref<128x256xf32, #tpu.memory_space<vmem>>, vector<16xf32>,
            tpu.vector_store %arg7[%parallel_loop3A_633, %parallel_loop3A_634], %parallel_loop3A_295 {strides = array<i32>} : memref<128x256xf32, #tpu.memory_space<vmem>>, vector<16xf32>,
            %parallel_loop3A_636 = arith.constant 3 : i32
            %parallel_loop3A_637 = arith.addi %mul3A_42, %parallel_loop3A_636 : i32
            %parallel_loop3A_638 = arith.index_cast %parallel_loop3A_637 : i32 to index
            %parallel_loop3A_639 = arith.index_cast %parallel_loop3A_48 : i32 to index
            %parallel_loop3A_640 = tpu.vector_load %arg7[%parallel_loop3A_638, %parallel_loop3A_639] {strides = array<i32>} : memref<128x256xf32, #tpu.memory_space<vmem>>, vector<16xf32>,
            tpu.vector_store %arg7[%parallel_loop3A_638, %parallel_loop3A_639], %parallel_loop3A_320 {strides = array<i32>} : memref<128x256xf32, #tpu.memory_space<vmem>>, vector<16xf32>,
            %parallel_loop3A_641 = arith.constant 4 : i32
            %parallel_loop3A_642 = arith.addi %mul3A_42, %parallel_loop3A_641 : i32
            %parallel_loop3A_643 = arith.index_cast %parallel_loop3A_642 : i32 to index
            %parallel_loop3A_644 = arith.index_cast %parallel_loop3A_48 : i32 to index
            %parallel_loop3A_645 = tpu.vector_load %arg7[%parallel_loop3A_643, %parallel_loop3A_644] {strides = array<i32>} : memref<128x256xf32, #tpu.memory_space<vmem>>, vector<16xf32>,
            tpu.vector_store %arg7[%parallel_loop3A_643, %parallel_loop3A_644], %parallel_loop3A_345 {strides = array<i32>} : memref<128x256xf32, #tpu.memory_space<vmem>>, vector<16xf32>,
            %parallel_loop3A_646 = arith.constant 5 : i32
            %parallel_loop3A_647 = arith.addi %mul3A_42, %parallel_loop3A_646 : i32
            %parallel_loop3A_648 = arith.index_cast %parallel_loop3A_647 : i32 to index
            %parallel_loop3A_649 = arith.index_cast %parallel_loop3A_48 : i32 to index
            %parallel_loop3A_650 = tpu.vector_load %arg7[%parallel_loop3A_648, %parallel_loop3A_649] {strides = array<i32>} : memref<128x256xf32, #tpu.memory_space<vmem>>, vector<16xf32>,
            tpu.vector_store %arg7[%parallel_loop3A_648, %parallel_loop3A_649], %parallel_loop3A_370 {strides = array<i32>} : memref<128x256xf32, #tpu.memory_space<vmem>>, vector<16xf32>,
            %parallel_loop3A_651 = arith.constant 6 : i32
            %parallel_loop3A_652 = arith.addi %mul3A_42, %parallel_loop3A_651 : i32
            %parallel_loop3A_653 = arith.index_cast %parallel_loop3A_652 : i32 to index
            %parallel_loop3A_654 = arith.index_cast %parallel_loop3A_48 : i32 to index
            %parallel_loop3A_655 = tpu.vector_load %arg7[%parallel_loop3A_653, %parallel_loop3A_654] {strides = array<i32>} : memref<128x256xf32, #tpu.memory_space<vmem>>, vector<16xf32>,
            tpu.vector_store %arg7[%parallel_loop3A_653, %parallel_loop3A_654], %parallel_loop3A_395 {strides = array<i32>} : memref<128x256xf32, #tpu.memory_space<vmem>>, vector<16xf32>,
            %parallel_loop3A_656 = arith.constant 7 : i32
            %parallel_loop3A_657 = arith.addi %mul3A_42, %parallel_loop3A_656 : i32
            %parallel_loop3A_658 = arith.index_cast %parallel_loop3A_657 : i32 to index
            %parallel_loop3A_659 = arith.index_cast %parallel_loop3A_48 : i32 to index
            %parallel_loop3A_660 = tpu.vector_load %arg7[%parallel_loop3A_658, %parallel_loop3A_659] {strides = array<i32>} : memref<128x256xf32, #tpu.memory_space<vmem>>, vector<16xf32>,
            tpu.vector_store %arg7[%parallel_loop3A_658, %parallel_loop3A_659], %parallel_loop3A_420 {strides = array<i32>} : memref<128x256xf32, #tpu.memory_space<vmem>>, vector<16xf32>,
            %parallel_loop3A_661 = arith.constant 8 : i32
            %parallel_loop3A_662 = arith.addi %mul3A_42, %parallel_loop3A_661 : i32
            %parallel_loop3A_663 = arith.index_cast %parallel_loop3A_662 : i32 to index
            %parallel_loop3A_664 = arith.index_cast %parallel_loop3A_48 : i32 to index
            %parallel_loop3A_665 = tpu.vector_load %arg7[%parallel_loop3A_663, %parallel_loop3A_664] {strides = array<i32>} : memref<128x256xf32, #tpu.memory_space<vmem>>, vector<16xf32>,
            tpu.vector_store %arg7[%parallel_loop3A_663, %parallel_loop3A_664], %parallel_loop3A_445 {strides = array<i32>} : memref<128x256xf32, #tpu.memory_space<vmem>>, vector<16xf32>,
            %parallel_loop3A_666 = arith.constant 9 : i32
            %parallel_loop3A_667 = arith.addi %mul3A_42, %parallel_loop3A_666 : i32
            %parallel_loop3A_668 = arith.index_cast %parallel_loop3A_667 : i32 to index
            %parallel_loop3A_669 = arith.index_cast %parallel_loop3A_48 : i32 to index
            %parallel_loop3A_670 = tpu.vector_load %arg7[%parallel_loop3A_668, %parallel_loop3A_669] {strides = array<i32>} : memref<128x256xf32, #tpu.memory_space<vmem>>, vector<16xf32>,
            tpu.vector_store %arg7[%parallel_loop3A_668, %parallel_loop3A_669], %parallel_loop3A_470 {strides = array<i32>} : memref<128x256xf32, #tpu.memory_space<vmem>>, vector<16xf32>,
            %parallel_loop3A_671 = arith.constant 10 : i32
            %parallel_loop3A_672 = arith.addi %mul3A_42, %parallel_loop3A_671 : i32
            %parallel_loop3A_673 = arith.index_cast %parallel_loop3A_672 : i32 to index
            %parallel_loop3A_674 = arith.index_cast %parallel_loop3A_48 : i32 to index
            %parallel_loop3A_675 = tpu.vector_load %arg7[%parallel_loop3A_673, %parallel_loop3A_674] {strides = array<i32>} : memref<128x256xf32, #tpu.memory_space<vmem>>, vector<16xf32>,
            tpu.vector_store %arg7[%parallel_loop3A_673, %parallel_loop3A_674], %parallel_loop3A_495 {strides = array<i32>} : memref<128x256xf32, #tpu.memory_space<vmem>>, vector<16xf32>,
            %parallel_loop3A_676 = arith.constant 11 : i32
            %parallel_loop3A_677 = arith.addi %mul3A_42, %parallel_loop3A_676 : i32
            %parallel_loop3A_678 = arith.index_cast %parallel_loop3A_677 : i32 to index
            %parallel_loop3A_679 = arith.index_cast %parallel_loop3A_48 : i32 to index
            %parallel_loop3A_680 = tpu.vector_load %arg7[%parallel_loop3A_678, %parallel_loop3A_679] {strides = array<i32>} : memref<128x256xf32, #tpu.memory_space<vmem>>, vector<16xf32>,
            tpu.vector_store %arg7[%parallel_loop3A_678, %parallel_loop3A_679], %parallel_loop3A_520 {strides = array<i32>} : memref<128x256xf32, #tpu.memory_space<vmem>>, vector<16xf32>,
            %parallel_loop3A_681 = arith.constant 12 : i32
            %parallel_loop3A_682 = arith.addi %mul3A_42, %parallel_loop3A_681 : i32
            %parallel_loop3A_683 = arith.index_cast %parallel_loop3A_682 : i32 to index
            %parallel_loop3A_684 = arith.index_cast %parallel_loop3A_48 : i32 to index
            %parallel_loop3A_685 = tpu.vector_load %arg7[%parallel_loop3A_683, %parallel_loop3A_684] {strides = array<i32>} : memref<128x256xf32, #tpu.memory_space<vmem>>, vector<16xf32>,
            tpu.vector_store %arg7[%parallel_loop3A_683, %parallel_loop3A_684], %parallel_loop3A_545 {strides = array<i32>} : memref<128x256xf32, #tpu.memory_space<vmem>>, vector<16xf32>,
            %parallel_loop3A_686 = arith.constant 13 : i32
            %parallel_loop3A_687 = arith.addi %mul3A_42, %parallel_loop3A_686 : i32
            %parallel_loop3A_688 = arith.index_cast %parallel_loop3A_687 : i32 to index
            %parallel_loop3A_689 = arith.index_cast %parallel_loop3A_48 : i32 to index
            %parallel_loop3A_690 = tpu.vector_load %arg7[%parallel_loop3A_688, %parallel_loop3A_689] {strides = array<i32>} : memref<128x256xf32, #tpu.memory_space<vmem>>, vector<16xf32>,
            tpu.vector_store %arg7[%parallel_loop3A_688, %parallel_loop3A_689], %parallel_loop3A_570 {strides = array<i32>} : memref<128x256xf32, #tpu.memory_space<vmem>>, vector<16xf32>,
            %parallel_loop3A_691 = arith.constant 14 : i32
            %parallel_loop3A_692 = arith.addi %mul3A_42, %parallel_loop3A_691 : i32
            %parallel_loop3A_693 = arith.index_cast %parallel_loop3A_692 : i32 to index
            %parallel_loop3A_694 = arith.index_cast %parallel_loop3A_48 : i32 to index
            %parallel_loop3A_695 = tpu.vector_load %arg7[%parallel_loop3A_693, %parallel_loop3A_694] {strides = array<i32>} : memref<128x256xf32, #tpu.memory_space<vmem>>, vector<16xf32>,
            tpu.vector_store %arg7[%parallel_loop3A_693, %parallel_loop3A_694], %parallel_loop3A_595 {strides = array<i32>} : memref<128x256xf32, #tpu.memory_space<vmem>>, vector<16xf32>,
            %parallel_loop3A_696 = arith.constant 15 : i32
            %parallel_loop3A_697 = arith.addi %mul3A_42, %parallel_loop3A_696 : i32
            %parallel_loop3A_698 = arith.index_cast %parallel_loop3A_697 : i32 to index
            %parallel_loop3A_699 = arith.index_cast %parallel_loop3A_48 : i32 to index
            %parallel_loop3A_700 = tpu.vector_load %arg7[%parallel_loop3A_698, %parallel_loop3A_699] {strides = array<i32>} : memref<128x256xf32, #tpu.memory_space<vmem>>, vector<16xf32>,
            tpu.vector_store %arg7[%parallel_loop3A_698, %parallel_loop3A_699], %parallel_loop3A_620 {strides = array<i32>} : memref<128x256xf32, #tpu.memory_space<vmem>>, vector<16xf32>,
          } {sc.loop_unroll_factor = 2 : i64, sc.parallel_access}
        }
        %scan3A_32 = arith.constant 8 : i32
        %mul3A_33 = arith.constant 16 : i32
        %mul3A_34 = arith.muli %add3A_26, %mul3A_33 : i32
        "tpu.region"() ({
          %run_scoped3A = tpu.sem_alloc : memref<!tpu.dma_semaphore, #tpu.memory_space<semaphore_mem>>
          %dma_start3A = arith.constant 0 : i32
          %dma_start3A_35 = tpu.memref_slice %arg4[%mul3A_34, %dma_start3A] : memref<32768x256xf32, #tpu.memory_space<hbm>> -> memref<128x256xf32, #tpu.memory_space<hbm>>
          %dma_start3A_36 = arith.constant 0 : i32
          %dma_start3A_37 = tpu.memref_slice %arg4[%mul3A_34, %dma_start3A_36] : memref<32768x256xf32, #tpu.memory_space<hbm>> -> memref<128x256xf32, #tpu.memory_space<hbm>>
          tpu.enqueue_dma source(%arg7 : memref<128x256xf32, #tpu.memory_space<vmem>>) target(%dma_start3A_37 : memref<128x256xf32, #tpu.memory_space<hbm>>) target_semaphore(%run_scoped3A : memref<!tpu.dma_semaphore, #tpu.memory_space<semaphore_mem>>)
          %dma_wait3A = arith.constant 0 : i32
          %dma_wait3A_38 = tpu.memref_slice %arg4[%mul3A_34, %dma_wait3A] : memref<32768x256xf32, #tpu.memory_space<hbm>> -> memref<128x256xf32, #tpu.memory_space<hbm>>
          %dma_wait3A_39 = arith.constant 0 : i32
          %dma_wait3A_40 = tpu.memref_slice %arg4[%mul3A_34, %dma_wait3A_39] : memref<32768x256xf32, #tpu.memory_space<hbm>> -> memref<128x256xf32, #tpu.memory_space<hbm>>
          tpu.wait_dma2 semaphore(%run_scoped3A : memref<!tpu.dma_semaphore, #tpu.memory_space<semaphore_mem>>) src(%arg7 : memref<128x256xf32, #tpu.memory_space<vmem>>) dst(%dma_wait3A_40 : memref<128x256xf32, #tpu.memory_space<hbm>>)
          tpu.yield
        }) : () -> ()
      }
      %scan3A_22 = arith.constant 2 : i32
    }
    %scan3A_10 = arith.constant 4 : i32
    return
  }
}

</mosaic_0001>

<sc_bundles>
// kernel: kernel.3.cloned.1.call-start
scs
__scs_entry_jumppad:
0x0: {  	(pc) =	sbr.rel $0x88, $3  }
0x1: {  	(tag) =	ssettag $0x0;
	lr =	simm.s32 $0x1  }
0x2: {  	[smem:$0x3F9F] =	sst lr;
	_ =	strace $0xD0000000  }
0x3: {  	_ = 	snop  }
0x4: {  	_ = 	snop  }
0x5: {  	_ = 	snop  }
0x6: {  	_ = 	snop  }
0x7: {  	_ = 	snop  }
__scs_overlays_trampoline_lowered:
0x8: {  	[smem:$0x3FAE] =	sst s0  }
0x9: {  	[smem:$0x3FAF] =	sst s1  }
0xa: {  	[smem:$0x3FB0] =	sst s2  }
0xb: {  	[smem:$0x3FB1] =	sst s3  }
0xc: {  	[smem:$0x3FB2] =	sst s4  }
0xd: {  	[smem:$0x3FB3] =	sst s5  }
0xe: {  	[smem:$0x3FB4] =	sst s6  }
0xf: {  	[smem:$0x3FB5] =	sst s7  }
0x10: {  	[smem:$0x3FB6] =	sst s8  }
0x11: {  	[smem:$0x3FB7] =	sst s9;
	s0 =	simm.s32 @!p0 $0x0  }
0x12: {  	s1 =	sld [smem:$0x3F9D];
	s0 =	simm.s32 @p0 $0x1  }
0x13: {  	[smem:$0x3FB8] =	sst s0;
	s0 =	simm.s32 @!p1 $0x0  }
0x14: {  	s2 =	sld [smem:$0x3F9C];
	s0 =	simm.s32 @p1 $0x1  }
0x15: {  	[smem:$0x3FB9] =	sst s0;
	s0 =	simm.s32 @!p2 $0x0  }
0x16: {  	s3 =	sld [smem:$0x3FDB];
	s0 =	simm.s32 @p2 $0x1  }
0x17: {  	s4 =	simm.s32 $0x1BF5;
	[smem:$0x3FBB] =	sst s0  }
0x18: {  	s0 =	sld [smem:$0x3F9E];
	_ =	swait.ge [sflag:s4], $0x0  }
0x19: {  	s7 =	sld [smem:$0x3F9F]  }
0x1a: {  	s8 =	sadd.s32 $0xFFFFE003, lr  }
0x1b: {  	s9 =	sadd.s32 $0xFFFFFEF7, lr;
	s5 =	simm.s32 $0xFFFFFFFF;
	p2 =	slt.u32 s8, $0xFFFFF086  }
0x1c: {  	p1 =	slt.u32 s9, $0xF7A;
	s5 =	simm.s32 @!p2 $0x0  }
0x1d: {  	s5 =	simm.s32 @p1 $0x1;
	p0 =	seq.s32 s7, s2  }
0x1e: {  	s7 =	smul.u32 @!p0 $0xF7A, s2;
	p2 =	seq.s32 @!p0 s5, $0x0  }
0x1f: {  	s9 =	smul.u32 $0xF7A, s1;
	s8 =	simm.s32 @!p0 $0x1BF5;
	p2 =	por !p2, p0  }
0x20: {  	[sflag:s8] =	ssyncset.s32 @!p0 $0xFFFFF086;
	s6 =	sadd.s32 @!p0 s3, s7;
	s7 =	simm.s32 @!p0 $0x108  }
0x21: {  	s3 =	sadd.s32 s3, s9;
	s6 =	sadd.s32 @!p0 $0x88, s6;
	s7 =	simm.s32 @p2 $0x1082  }
0x22: {  	[simem:s7], [sflag:s8] =	dma.local @!p0 [hbm:s6], $0xF7A  }
0x23: {  	s9 =	sor.u32 $0xD0000000, s2;
	s6 =	simm.s32 $0x108;
	_ =	swait.ge @!p0 [sflag:s8], $0x0  }
0x24: {  	s3 =	sadd.s32 $0x88, s3;
	s6 =	simm.s32 @!p1 $0x1082;
	[sflag:s4] =	ssyncset.s32 $0xFFFFF086  }
0x25: {  	[simem:s6], [sflag:s4] =	dma.local [hbm:s3], $0xF7A  }
0x26: {  	[smem:$0x3F9F] =	sst s1;
	(tag) =	ssettag s2;
	_ =	strace s9  }
0x27: {  	s1 =	sld [smem:$0x3FAF]  }
0x28: {  	s2 =	sld [smem:$0x3FB0]  }
0x29: {  	s4 =	sld [smem:$0x3FB2]  }
0x2a: {  	p0 =	seq.s32 s5, $0x0;
	s5 =	sld [smem:$0x3FB3]  }
0x2b: {  	s6 =	sld [smem:$0x3FB4]  }
0x2c: {  	s7 =	sld [smem:$0x3FB5]  }
0x2d: {  	s3 =	simm.s32 $0x108;
	s8 =	sld [smem:$0x3FB6]  }
0x2e: {  	s3 =	simm.s32 @!p0 $0x1082;
	s9 =	sld [smem:$0x3FB7]  }
0x2f: {  	lr =	sadd.s32 s0, s3;
	s0 =	sld [smem:$0x3FAE]  }
0x30: {  	s3 =	sld [smem:$0x3FB1]  }
0x31: {  	[smem:$0x3FBA] =	sst s10  }
0x32: {  	s10 =	sld [smem:$0x3FB8];
	_ =	sdelay $0x3  }
0x33: {  	p0 =	seq.s32 s10, $0x1;
	s10 =	sld [smem:$0x3FBA];
	_ =	sdelay $0x3  }
0x34: {  	[smem:$0x3FBA] =	sst s10  }
0x35: {  	s10 =	sld [smem:$0x3FB9];
	_ =	sdelay $0x3  }
0x36: {  	p1 =	seq.s32 s10, $0x1;
	s10 =	sld [smem:$0x3FBA];
	_ =	sdelay $0x3  }
0x37: {  	[smem:$0x3FBA] =	sst s10  }
0x38: {  	s10 =	sld [smem:$0x3FBB]  }
0x39: {  	_ = 	snop;
	(pc) =	sbr.ind lr, $3  }
0x3a: {  	_ = 	snop  }
0x3b: {  	_ = 	snop  }
0x3c: {  	p2 =	seq.s32 s10, $0x1;
	s10 =	sld [smem:$0x3FBA]  }
0x3d: {  	_ =	shalt  }
0x3e: {  	_ =	shalt  }
0x3f: {  	_ =	shalt  }
0x40: {  	_ =	shalt  }
0x41: {  	_ =	shalt  }
0x42: {  	_ =	shalt  }
0x43: {  	_ =	shalt  }
0x44: {  	_ =	shalt  }
0x45: {  	_ =	shalt  }
0x46: {  	_ =	shalt  }
0x47: {  	_ =	shalt  }
0x48: {  	_ =	shalt  }
0x49: {  	_ =	shalt  }
0x4a: {  	_ =	shalt  }
0x4b: {  	_ =	shalt  }
0x4c: {  	_ =	shalt  }
0x4d: {  	_ =	shalt  }
0x4e: {  	_ =	shalt  }
0x4f: {  	_ =	shalt  }
0x50: {  	_ =	shalt  }
0x51: {  	_ =	shalt  }
0x52: {  	_ =	shalt  }
0x53: {  	_ =	shalt  }
0x54: {  	_ =	shalt  }
0x55: {  	_ =	shalt  }
0x56: {  	_ =	shalt  }
0x57: {  	_ =	shalt  }
0x58: {  	_ =	shalt  }
0x59: {  	_ =	shalt  }
0x5a: {  	_ =	shalt  }
0x5b: {  	_ =	shalt  }
0x5c: {  	_ =	shalt  }
0x5d: {  	_ =	shalt  }
0x5e: {  	_ =	shalt  }
0x5f: {  	_ =	shalt  }
0x60: {  	_ =	shalt  }
0x61: {  	_ =	shalt  }
0x62: {  	_ =	shalt  }
0x63: {  	_ =	shalt  }
0x64: {  	_ =	shalt  }
0x65: {  	_ =	shalt  }
0x66: {  	_ =	shalt  }
0x67: {  	_ =	shalt  }
0x68: {  	_ =	shalt  }
0x69: {  	_ =	shalt  }
0x6a: {  	_ =	shalt  }
0x6b: {  	_ =	shalt  }
0x6c: {  	_ =	shalt  }
0x6d: {  	_ =	shalt  }
0x6e: {  	_ =	shalt  }
0x6f: {  	_ =	shalt  }
0x70: {  	_ =	shalt  }
0x71: {  	_ =	shalt  }
0x72: {  	_ =	shalt  }
0x73: {  	_ =	shalt  }
0x74: {  	_ =	shalt  }
0x75: {  	_ =	shalt  }
0x76: {  	_ =	shalt  }
0x77: {  	_ =	shalt  }
0x78: {  	_ =	shalt  }
0x79: {  	_ =	shalt  }
0x7a: {  	_ =	shalt  }
0x7b: {  	_ =	shalt  }
0x7c: {  	_ =	shalt  }
0x7d: {  	_ =	shalt  }
0x7e: {  	_ =	shalt  }
0x7f: {  	_ =	shalt  }
0x80: {  	_ =	shalt  }
0x81: {  	_ =	shalt  }
0x82: {  	_ =	shalt  }
0x83: {  	_ =	shalt  }
0x84: {  	_ =	shalt  }
0x85: {  	_ =	shalt  }
0x86: {  	_ =	shalt  }
0x87: {  	_ =	shalt  }
.Lfunc_end0:
.L_simem_size_0:
called_computation.1_lowered:
.L_overlay_start_0:
0x88: {  	s2 =	sld [smem:$0x3FD9]  }
0x89: {  	s3 =	sld [smem:$0x3FFE];
	_ =	sdelay $0x1  }
0x8a: {  	s1 =	srdreg.scid  }
0x8b: {  	s0 =	sand.u32 $0x1, s1  }
0x8c: {  	s17 =	sshll.u32 s0, $0xA;
	s2 =	sadd.s32 s3, s2  }
0x8d: {  	s2 =	sadd.s32 s2, s17  }
0x8e: {  	[smem:$0x3FC6] =	sst s2  }
0x8f: {  	_ = 	snop  }
0x90: {  	s2 =	sld [smem:$0x3FC8]  }
0x91: {  	s18 =	sld [smem:$0x3FD0];
	(tm) =	ssettm $0x1  }
0x92: {  	s4 =	sld [smem:$0x3FFB];
	_ =	sdelay $0x3  }
0x93: {  	_ =	strace s4  }
0x94: {  	s4 =	sld [smem:$0x3FFC];
	_ =	sdelay $0x3  }
0x95: {  	_ =	strace s4  }
0x96: {  	s4 =	sld [smem:$0x3FFD];
	_ =	sdelay $0x3  }
0x97: {  	_ =	strace s4  }
0x98: {  	_ =	strace $0x8FFFFFFF  }
0x99: {  	s19 =	sld [smem:$0x3FDB];
	_ =	sdelay $0x1  }
0x9a: {  	s5 =	simm.s32 $_scs_section_size  }
0x9b: {  	s6 =	simm.s32 $_size__tile_overlayer_lowered;
	s7 =	simm.s32 $_tile_overlayer_lowered  }
0x9c: {  	s22 =	simm.s32 $0x1BFF;
	s21 =	sshll.u32 s7, $0x1;
	s4 =	sadd.s32 s5, s19  }
0x9d: {  	s8 =	simm.s32 $0x0;
	s20 =	sshll.u32 s6, $0x1;
	s6 =	sadd.s32 s21, s4  }
0x9e: {  	[timem:s8], [sflag:s22] =	dma.local [hbm:s6], s20  }
0x9f: {  	_ =	swait.ge [sflag:s22], s20  }
0xa0: {  	s5 =	ssub.s32 $0x0, s20;
	[sflag:s22] =	ssyncset.done $0x0  }
0xa1: {  	[sflag:s22] =	ssyncadd.s32 s5;
	_ =	sdelay $0x1  }
0xa2: {  	s23 =	simm.s32 $0x1B8B  }
0xa3: {  	_ =	swait.ge [sflag:s23], $0x1  }
0xa4: {  	[sflag:s23] =	ssyncset.done $0x0  }
0xa5: {  	s25 =	simm.s32 $0x1B8E;
	s24 =	sld [smem:$0x3FFE];
	[sflag:s23] =	ssyncadd.s32 $0xFFFFFFFF  }
0xa6: {  	s26 =	simm.s32 $execute0_lowered;
	[smem:$0x3FD2] =	sst s25  }
0xa7: {  	s6 =	sshll.u32 s26, $0x1;
	_ =	strace $0x80000046;
	[dreg:$0x1] =	wrdreg $0xFFFFFFFF  }
0xa8: {  	s28 =	simm.s32 $_size_execute0_lowered;
	s4 =	sadd.s32 s4, s6;
	[dreg:$0x0] =	wrdreg $0x0  }
0xa9: {  	s6 =	sshll.u32 s28, $0x1;
	[dreg:$0x2] =	wrdreg s4  }
0xaa: {  	[dreg:$0x3] =	wrdreg s6  }
0xab: {  	[dreg:$0x4] =	wrdreg $0xC0  }
0xac: {  	_ =	task [dreg:s8], $0x5FFFF  }
0xad: {  	[dreg:$0x1] =	wrdreg $0xFFFFFFFF  }
0xae: {  	[dreg:$0x0] =	wrdreg $0x60  }
0xaf: {  	[dreg:$0x2] =	wrdreg s18  }
0xb0: {  	[dreg:$0x3] =	wrdreg s2  }
0xb1: {  	[dreg:$0x4] =	wrdreg s24  }
0xb2: {  	[dreg:$0x5] =	wrdreg $0x9  }
0xb3: {  	_ =	task.clear_ibuf [dreg:s8], $0x6FFFF;
	_ =	strace $0x90000046  }
0xb4: {  	s29 =	simm.s32 $0x9;
	_ =	strace $0x80000048  }
0xb5: {  	_ =	swait.ge [sflag:s29], $0x1  }
0xb6: {  	[sflag:s29] =	ssyncadd.s32 $0xFFFFFFFF  }
0xb7: {  	_ =	strace $0x90000048  }
0xb8: {  	_ =	sfence  }
0xb9: {  	s30 =	sld [smem:$0x0];
	_ =	sdelay $0x2  }
0xba: {  	s31 =	sshll.u32 s1, $0xD;
	s1 =	sshrl.u32 s1, $0x2  }
0xbb: {  	s3 =	sand.u32 $0x4000, s31;
	s1 =	sadd.s32 s1, s30  }
0xbc: {  	s0 =	sor.u32 s3, s0;
	s1 =	sshll.u32 s1, $0x11  }
0xbd: {  	s0 =	sor.u32 s1, s0  }
0xbe: {  	s0 =	sadd.s32 $0x8F2B, s0  }
0xbf: {  	[sflag:s0] =	ssyncadd.remote.s32 $0x1  }
0xc0: {  	_ =	sfence.sel $0xFFFF  }
0xc1: {  	[dreg:$0x0] =	wrdreg $0xFFFFFFFF;
	(pc) =	sbr.abs _section_cstart, $3  }
0xc2: {  	[dreg:$0x1] =	wrdreg $0xFFFFFFFF  }
0xc3: {  	_ =	task.clear_ibuf [dreg:s8], $0x2FFFF;
	_ =	strace $0x9FFFFFFF  }
0xc4: {  	(tm) =	ssettm $0x7FFFFFFF  }
0xc5: {  	_ =	shalt  }
tec
execute0_lowered:
.L_overlay_start_1:
0x0: {  	(tag) =	ssettag $0x1  }
0x1: {  	s1 =	rddreg [dreg:$0x0]  }
0x2: {  	s2 =	rddreg [dreg:$0x1]  }
0x3: {  	s4 =	rddreg [dreg:$0x2]  }
0x4: {  	s0 =	rddreg [dreg:$0x3]  }
0x5: {  	s3 =	simm.s32 $0x0;
	s5 =	srdreg.scid;
	s9 =	simm.s32 $0x8000  }
0x6: {  	s10 =	simm.s32 $0x10000;
	s11 =	simm.s32 $0x0;
	s6 =	sand.u32 $0x1, s5  }
0x7: {  	[smem:$0x7FF] =	sst s3;
	s5 =	sadd.s32 $0x800, s4;
	s7 =	ssub.s32 $0x2, s6  }
0x8: {  	s4 =	stileid.u32;
	_ =	strace $0x80000047;
	s8 =	sshrl.u32 s7, $0x1  }
0x9: {  	s31 =	sshll.u32 s4, $0x7;
	s6 =	sshll.u32 s6, $0x6;
	s7 =	ssub.s32 s7, s8  }
0xa: {  	v3 =	vimm.s32 $0x1;
	s6 =	sor.u32 s6, s31;
	s8 =	simm.s32 $0x1;
	s7 =	smax.u32 s7, $0x1  }
.LBB2_1:
0xb: {  	s12 =	simm.s32 $0x0  }
.LBB2_2:
0xc: {  	s13 =	sshll.u32 s12, $0x4  }
0xd: {  	s13 =	sadd.s32 s6, s13  }
0xe: {  	s14 =	sshll.u32 s13, $0x8  }
0xf: {  	s15 =	sadd.s32 s1, s14;
	s14 =	simm.s32 $0x0  }
0x10: {  	[tilespmem:s14], [sflag:$0x1] =	stream.linear.gather [hbm4b:s15+s14], $0x8000, $0x38;
	[tilespmem:$0x18000] =	vst v63  }
0x11: {  	_ =	swait.ge [sflag:s8], $0x8000  }
0x12: {  	[sflag:s8] =	ssyncset.done $0x0  }
0x13: {  	p1 =	por $0x1, $0x1;
	s15 =	simm.s32 $0x0;
	[sflag:s8] =	ssyncadd.s32 $0xFFFF8000  }
.LBB2_3:
0x14: {  	s16 =	sor.u32 s13, s15  }
0x15: {  	s16 =	sshll.u32 s16, $0x9  }
0x16: {  	s17 =	sadd.s32 s2, s16  }
0x17: {  	[tilespmem:s9], [sflag:$0x1] =	stream.linear.gather [hbm4b:s17+s14], $0x8000, $0x38;
	[tilespmem:$0x18000] =	vst v63  }
0x18: {  	_ =	swait.ge [sflag:s8], $0x8000  }
0x19: {  	[sflag:s8] =	ssyncset.done $0x0  }
0x1a: {  	p0 =	por p1, p1;
	s17 =	simm.s32 $0x0;
	[sflag:s8] =	ssyncadd.s32 $0xFFFF8000  }
.LBB2_4:
0x1b: {  	s18 =	sadd.s32 s15, s17;
	s20 =	sshll.u32 s17, $0xC  }
0x1c: {  	s19 =	sshll.u32 s17, $0xE;
	s22 =	simm.s32 $0x0;
	s18 =	sshll.u32 s18, $0xB;
	v0 =	vmov s20  }
0x1d: {  	s23 =	simm.s32 $0x0;
	s21 =	sshra.s32 s19, $0x2;
	s18 =	sand.u32 $0x3FFFF800, s18;
	[tilespmem:$0x1FFE0] =	vst v0;
	v0 =	vor.u32 $0x800, v0  }
0x1e: {  	s19 =	sadd.s32 $0x10000, s21;
	s20 =	sadd.s32 $0x10800, s21;
	s21 =	simm.s32 $0xFFFFFFFE;
	[tilespmem:$0x1FFF0] =	vst v0  }
.LBB2_5:
0x1f: {  	s25 =	sand.u32 $0x400, s23  }
0x20: {  	s24 =	sand.u32 $0x60, s22;
	s28 =	sadd.s32 s25, s18  }
0x21: {  	s26 =	sadd.s32 s24, s28  }
0x22: {  	v0 =	vld [tilespmem:s26+$0x0]  }
0x23: {  	v1 =	vld [tilespmem:s26+$0x80]  }
0x24: {  	v5 =	vld [tilespmem:s26+$0x100]  }
0x25: {  	v6 =	vld [tilespmem:s26+$0x180]  }
0x26: {  	v7 =	vld [tilespmem:s26+$0x200]  }
0x27: {  	v8 =	vld [tilespmem:s26+$0x280]  }
0x28: {  	v9 =	vld [tilespmem:s26+$0x300]  }
0x29: {  	v10 =	vld [tilespmem:s26+$0x380];
	_ =	sdelay $0x2  }
0x2a: {  	v2 =	vimm.s32 $0x0;
	v1 =	vand.u32 $0xFFFFFFF8, v1;
	v0 =	vand.u32 $0xFFFFFFF8, v0  }
0x2b: {  	v5 =	vand.u32 $0xFFFFFFF8, v5;
	v6 =	vand.u32 $0xFFFFFFF8, v6;
	v7 =	vand.u32 $0xFFFFFFF8, v7  }
0x2c: {  	v8 =	vand.u32 $0xFFFFFFF8, v8;
	v9 =	vand.u32 $0xFFFFFFF8, v9;
	v10 =	vor.u32 $0x7, v10  }
0x2d: {  	v1 =	vor.u32 $0x1, v1;
	v5 =	vor.u32 $0x2, v5;
	v6 =	vor.u32 $0x3, v6  }
0x2e: {  	v7 =	vor.u32 $0x4, v7;
	v8 =	vor.u32 $0x5, v8;
	v9 =	vor.u32 $0x6, v9  }
0x2f: {  	vm0 =	vgt.s32 v0, v1;
	vm14 =	vgt.s32 v5, v6;
	vm1 =	vgt.s32 v7, v8  }
0x30: {  	vm15 =	vgt.s32 v9, v10;
	v11 =	vsel vm0, v1, v0;
	v0 =	vsel vm0, v0, v1  }
0x31: {  	v1 =	vsel vm14, v6, v5;
	v5 =	vsel vm14, v5, v6;
	v39 =	vsel vm1, v8, v7  }
0x32: {  	v7 =	vsel vm1, v7, v8;
	v40 =	vsel vm15, v10, v9;
	v9 =	vsel vm15, v9, v10  }
0x33: {  	vm4 =	vgt.s32 v11, v1;
	vm5 =	vgt.s32 v0, v5;
	vm6 =	vgt.s32 v39, v40  }
0x34: {  	vm7 =	vgt.s32 v7, v9;
	v41 =	vsel vm4, v1, v11;
	v1 =	vsel vm4, v11, v1  }
0x35: {  	v42 =	vsel vm5, v5, v0;
	v0 =	vsel vm5, v0, v5;
	v5 =	vsel vm6, v40, v39  }
0x36: {  	v6 =	vsel vm6, v39, v40;
	v43 =	vsel vm7, v9, v7;
	v7 =	vsel vm7, v7, v9  }
0x37: {  	vm8 =	vgt.s32 v42, v1;
	vm9 =	vgt.s32 v43, v6;
	vm10 =	vgt.s32 v41, v5  }
0x38: {  	vm13 =	vgt.s32 v0, v7;
	v44 =	vsel vm8, v1, v42;
	v1 =	vsel vm8, v42, v1  }
0x39: {  	v45 =	vsel vm9, v6, v43;
	v6 =	vsel vm9, v43, v6;
	v14 =	vsel vm10, v5, v41  }
0x3a: {  	v5 =	vsel vm10, v41, v5;
	v48 =	vsel vm13, v7, v0;
	v0 =	vsel vm13, v0, v7  }
0x3b: {  	vm11 =	vgt.s32 v44, v45;
	vm12 =	vgt.s32 v1, v6;
	v19 =	vand.u32 $0x7, v0  }
0x3c: {  	v4 =	vld [tilespmem:$0x1FFE0];
	v55 =	vand.u32 $0x7, v14;
	v46 =	vsel vm11, v45, v44;
	v9 =	vsel vm11, v44, v45  }
0x3d: {  	v47 =	vsel vm12, v6, v1;
	v1 =	vsel vm12, v1, v6;
	v11 =	vshll.u32 v3, v19  }
0x3e: {  	v56 =	vshll.u32 v3, v55;
	vm7 =	veq.s32 v19, $0x7;
	vm14 =	vgt.s32 v47, v5  }
0x3f: {  	vm15 =	vgt.s32 v48, v9;
	v35 =	vsel vm7, $0x400, v2;
	v34 =	vand.u32 $0x7F, v11  }
0x40: {  	v49 =	vsel vm14, v5, v47;
	v5 =	vsel vm14, v47, v5;
	v50 =	vsel vm15, v9, v48  }
0x41: {  	v6 =	vsel vm15, v48, v9;
	v40 =	vor.u32 v4, v35;
	vm4 =	vgt.s32 v46, v49  }
0x42: {  	vm5 =	vgt.s32 v50, v5;
	vm6 =	vgt.s32 v6, v1;
	v41 =	vor.u32 v34, v40  }
0x43: {  	v17 =	vsel vm4, v49, v46;
	v7 =	vsel vm4, v46, v49;
	v18 =	vsel vm5, v5, v50  }
0x44: {  	v5 =	vsel vm5, v50, v5;
	v42 =	vsel vm6, v6, v1;
	v6 =	vsel vm6, v1, v6  }
0x45: {  	v1 =	vand.u32 $0x7, v42;
	v51 =	vand.u32 $0x7, v6;
	v52 =	vand.u32 $0x7, v5  }
0x46: {  	v53 =	vand.u32 $0x7, v7;
	v54 =	vand.u32 $0x7, v17;
	v1 =	vshll.u32 v3, v1  }
0x47: {  	v19 =	vsub.f32 v42, v6;
	v8 =	vshll.u32 v3, v51;
	v12 =	vadd.s32 v11, v1  }
0x48: {  	v9 =	vshll.u32 v3, v52;
	v1 =	vand.u32 $0x7, v18;
	v20 =	vadd.s32 v8, v12  }
0x49: {  	v1 =	vshll.u32 v3, v1;
	v8 =	vshll.u32 v3, v53;
	v21 =	vadd.s32 v9, v20  }
0x4a: {  	v9 =	vshll.u32 v3, v54;
	v59 =	vshll.u32 v20, $0x3;
	v1 =	vadd.s32 v1, v21  }
0x4b: {  	v30 =	vand.u32 $0x7F, v20;
	v20 =	vsub.f32 v5, v18;
	v13 =	vadd.s32 v8, v1  }
0x4c: {  	v58 =	vshll.u32 v21, $0x3;
	v27 =	vand.u32 $0x7F, v21;
	v9 =	vadd.s32 v9, v13  }
0x4d: {  	v31 =	vand.u32 $0x1C00, v59;
	v21 =	vsub.f32 v18, v7;
	v8 =	vadd.s32 v56, v9  }
0x4e: {  	v18 =	vsub.f32 v6, v5;
	v23 =	vshll.u32 v1, $0x3;
	v57 =	vshll.u32 v8, $0x3  }
0x4f: {  	v60 =	vadd.s32 v4, v31;
	v22 =	vshll.u32 v13, $0x3;
	v10 =	vand.u32 $0x7FFFFC00, v57  }
0x50: {  	v39 =	vor.u32 v30, v60;
	v8 =	vand.u32 $0x7F, v8;
	v15 =	vadd.s32 v4, v10  }
0x51: {  	v25 =	vand.u32 $0x7FFFFC00, v23;
	v16 =	vshll.u32 v9, $0x3;
	v26 =	vor.u32 v8, v15  }
0x52: {  	v9 =	vand.u32 $0x7F, v9;
	v15 =	vand.u32 $0x7FFFFC00, v16;
	v61 =	vor.u32 $0x80, v26  }
0x53: {  	v22 =	vand.u32 $0x7FFFFC00, v22;
	v16 =	vadd.s32 v4, v15;
	v6 =	vor.u32 $0x100, v26  }
0x54: {  	v5 =	vld.idx.msk [tilespmem:v41+s9+$0x0], $0xffff;
	v24 =	vadd.s32 v4, v22;
	v28 =	vor.u32 v9, v16;
	v16 =	vand.u32 $0x7F, v13  }
0x55: {  	v50 =	vld.idx.msk [tilespmem:v39+s9+$0x0], $0xffff;
	v13 =	vand.u32 $0x7F, v1;
	v1 =	vadd.s32 v4, v25;
	v38 =	vor.u32 v16, v24  }
0x56: {  	v36 =	vor.u32 v13, v1;
	v43 =	vld.idx.msk [tilespmem:v26+s9+$0x0], $0xffff  }
0x57: {  	v48 =	vor.u32 $0x80, v28;
	v54 =	vld.idx.msk [tilespmem:v61+s9+$0x0], $0xffff  }
0x58: {  	v51 =	vor.u32 $0x80, v38;
	v6 =	vld.idx.msk [tilespmem:v6+s9+$0x0], $0xffff  }
0x59: {  	v29 =	vand.u32 $0x7FFFFC00, v58;
	v53 =	vor.u32 $0x80, v36;
	v45 =	vld.idx.msk [tilespmem:v28+s9+$0x0], $0xffff  }
0x5a: {  	v63 =	vor.u32 $0x80, v39;
	v1 =	vadd.s32 v4, v29;
	v46 =	vld.idx.msk [tilespmem:v38+s9+$0x0], $0xffff  }
0x5b: {  	v40 =	vor.u32 v11, v40;
	v37 =	vor.u32 v27, v1;
	v1 =	vshll.u32 v12, $0x3;
	v47 =	vld.idx.msk [tilespmem:v36+s9+$0x0], $0xffff  }
0x5c: {  	v32 =	vand.u32 $0x7F, v12;
	v57 =	vor.u32 $0x80, v40;
	v33 =	vand.u32 $0xC00, v1;
	v62 =	vld.idx.msk [tilespmem:v48+s9+$0x0], $0xffff  }
0x5d: {  	v23 =	vsub.f32 v7, v17;
	v55 =	vor.u32 $0x80, v37;
	v44 =	vor.u32 v4, v33;
	v51 =	vld.idx.msk [tilespmem:v51+s9+$0x0], $0xffff  }
0x5e: {  	v24 =	vsub.f32 v17, v14;
	v17 =	vsub.f32 v0, v42;
	v1 =	vor.u32 v32, v44;
	v0 =	vld.idx.msk [tilespmem:v53+s9+$0x0], $0xffff  }
0x5f: {  	v56 =	vor.u32 $0x80, v1;
	v48 =	vld.idx.msk [tilespmem:v63+s9+$0x0], $0xffff;
	v43 =	vmul.f32 v14, v43  }
0x60: {  	v49 =	vld.idx.msk [tilespmem:v37+s9+$0x0], $0xffff;
	v60 =	vmul.f32 v14, v54;
	v54 =	vor.u32 $0x100, v38;
	v45 =	vmul.f32 v24, v45  }
0x61: {  	v53 =	vld.idx.msk [tilespmem:v57+s9+$0x0], $0xffff;
	v59 =	vmul.f32 v23, v46;
	v46 =	vor.u32 $0x100, v28;
	v7 =	vmul.f32 v62, v24  }
0x62: {  	v61 =	vmul.f32 v21, v47;
	v62 =	vor.u32 $0x100, v36;
	v58 =	vadd.f32 v45, v43;
	v45 =	vld.idx.msk [tilespmem:v55+s9+$0x0], $0xffff  }
0x63: {  	v63 =	vor.u32 $0x100, v37;
	v52 =	vld.idx.msk [tilespmem:v1+s9+$0x0], $0xffff;
	v51 =	vmul.f32 v51, v23;
	v0 =	vmul.f32 v0, v21  }
0x64: {  	v47 =	vld.idx.msk [tilespmem:v56+s9+$0x0], $0xffff;
	v55 =	vor.u32 $0x180, v26;
	v7 =	vadd.f32 v7, v60;
	v42 =	vadd.f32 v58, v59  }
0x65: {  	v60 =	vmul.f32 v18, v50;
	v59 =	vmul.f32 v20, v49;
	v49 =	vor.u32 $0x100, v39;
	v50 =	vld.idx.msk [tilespmem:v54+s9+$0x0], $0xffff  }
0x66: {  	v54 =	vor.u32 $0x100, v41;
	v7 =	vadd.f32 v51, v7;
	v42 =	vadd.f32 v42, v61;
	v46 =	vld.idx.msk [tilespmem:v46+s9+$0x0], $0xffff  }
0x67: {  	v56 =	vor.u32 $0x180, v28;
	v51 =	vor.u32 $0x100, v1;
	v61 =	vmul.f32 v45, v20;
	v45 =	vld.idx.msk [tilespmem:v62+s9+$0x0], $0xffff  }
0x68: {  	v0 =	vadd.f32 v0, v7;
	v62 =	vmul.f32 v19, v52;
	v52 =	vld.idx.msk [tilespmem:v63+s9+$0x0], $0xffff;
	v42 =	vadd.f32 v42, v59  }
0x69: {  	v57 =	vor.u32 $0x200, v39;
	v63 =	vmul.f32 v48, v18;
	v55 =	vld.idx.msk [tilespmem:v55+s9+$0x0], $0xffff  }
0x6a: {  	v0 =	vadd.f32 v61, v0;
	v48 =	vld.idx.msk [tilespmem:v49+s9+$0x0], $0xffff;
	v42 =	vadd.f32 v42, v60;
	v60 =	vor.u32 $0x180, v38  }
0x6b: {  	v5 =	vmul.f32 v17, v5;
	v58 =	vor.u32 $0x180, v39;
	v61 =	vor.u32 $0x180, v36;
	v7 =	vld.idx.msk [tilespmem:v54+s9+$0x0], $0xffff  }
0x6c: {  	v47 =	vmul.f32 v47, v19;
	v54 =	vor.u32 $0x180, v37;
	v51 =	vld.idx.msk [tilespmem:v51+s9+$0x0], $0xffff;
	v0 =	vadd.f32 v63, v0  }
0x6d: {  	v63 =	vmul.f32 v53, v17;
	v43 =	vadd.f32 v42, v62;
	v62 =	vmul.f32 v46, v24;
	v46 =	vld.idx.msk [tilespmem:v56+s9+$0x0], $0xffff  }
0x6e: {  	v53 =	vor.u32 $0x180, v40;
	v42 =	vor.u32 v12, v44;
	v44 =	vld.idx.msk [tilespmem:v57+s9+$0x0], $0xffff;
	v0 =	vadd.f32 v47, v0  }
0x6f: {  	v6 =	vmul.f32 v14, v6;
	v56 =	vor.u32 $0x180, v42;
	v2 =	vadd.f32 v43, v5;
	v49 =	vld.idx.msk [tilespmem:v60+s9+$0x0], $0xffff  }
0x70: {  	v43 =	vor.u32 $0x200, v28;
	v60 =	vmul.f32 v50, v23;
	v50 =	vld.idx.msk [tilespmem:v61+s9+$0x0], $0xffff;
	v0 =	vadd.f32 v63, v0  }
0x71: {  	v6 =	vadd.f32 v62, v6;
	v62 =	vmul.f32 v45, v21;
	v45 =	vld.idx.msk [tilespmem:v58+s9+$0x0], $0xffff;
	v61 =	vor.u32 $0x200, v26  }
0x72: {  	v47 =	vor.u32 $0x200, v38;
	v7 =	vmul.f32 v7, v17;
	[tilespmem:$0x1FF10] =	vst v0;
	v0 =	vld.idx.msk [tilespmem:v54+s9+$0x0], $0xffff  }
0x73: {  	v6 =	vadd.f32 v60, v6;
	v60 =	vmul.f32 v52, v20;
	v52 =	vld.idx.msk [tilespmem:v53+s9+$0x0], $0xffff;
	v53 =	vor.u32 $0x200, v37  }
0x74: {  	v63 =	vmul.f32 v14, v55;
	v46 =	vmul.f32 v46, v24;
	v55 =	vld.idx.msk [tilespmem:v56+s9+$0x0], $0xffff;
	v56 =	vor.u32 $0x200, v36  }
0x75: {  	v6 =	vadd.f32 v62, v6;
	v43 =	vld.idx.msk [tilespmem:v43+s9+$0x0], $0xffff;
	v62 =	vmul.f32 v50, v21;
	v50 =	vor.u32 $0x200, v41  }
0x76: {  	v46 =	vadd.f32 v46, v63;
	v49 =	vmul.f32 v49, v23;
	v54 =	vld.idx.msk [tilespmem:v61+s9+$0x0], $0xffff;
	v41 =	vor.u32 $0x300, v41  }
0x77: {  	v47 =	vld.idx.msk [tilespmem:v47+s9+$0x0], $0xffff;
	v61 =	vmul.f32 v48, v18;
	v48 =	vor.u32 $0x200, v1;
	v6 =	vadd.f32 v60, v6  }
0x78: {  	v63 =	vmul.f32 v51, v19;
	v60 =	vor.u32 $0x280, v26;
	v46 =	vadd.f32 v49, v46;
	v49 =	vld.idx.msk [tilespmem:v53+s9+$0x0], $0xffff  }
0x79: {  	v45 =	vmul.f32 v45, v18;
	v6 =	vadd.f32 v61, v6;
	v51 =	vld.idx.msk [tilespmem:v56+s9+$0x0], $0xffff;
	v61 =	vor.u32 $0x280, v28  }
0x7a: {  	v0 =	vmul.f32 v0, v20;
	v56 =	vor.u32 $0x280, v39;
	v46 =	vadd.f32 v62, v46;
	v50 =	vld.idx.msk [tilespmem:v50+s9+$0x0], $0xffff  }
0x7b: {  	v62 =	vor.u32 $0x280, v38;
	v43 =	vmul.f32 v43, v24;
	v54 =	vmul.f32 v14, v54;
	v41 =	vld.idx.msk [tilespmem:v41+s9+$0x0], $0xffff  }
0x7c: {  	v6 =	vadd.f32 v63, v6;
	v0 =	vadd.f32 v0, v46;
	v46 =	vld.idx.msk [tilespmem:v48+s9+$0x0], $0xffff;
	v48 =	vor.u32 $0x280, v36  }
0x7d: {  	v63 =	vmul.f32 v55, v19;
	v55 =	vld.idx.msk [tilespmem:v60+s9+$0x0], $0xffff;
	v43 =	vadd.f32 v43, v54;
	v54 =	vor.u32 $0x280, v1  }
0x7e: {  	[tilespmem:$0x1FF00] =	vst v2;
	v2 =	vadd.f32 v7, v6;
	v1 =	vor.u32 $0x300, v1;
	v53 =	vld.idx.msk [tilespmem:v61+s9+$0x0], $0xffff  }
0x7f: {  	v7 =	vmul.f32 v49, v20;
	v0 =	vadd.f32 v45, v0;
	v61 =	vor.u32 $0x300, v26;
	v49 =	vld.idx.msk [tilespmem:v56+s9+$0x0], $0xffff  }
0x80: {  	v47 =	vmul.f32 v47, v23;
	v60 =	vmul.f32 v52, v17;
	v56 =	vor.u32 $0x300, v38;
	v52 =	vld.idx.msk [tilespmem:v62+s9+$0x0], $0xffff  }
0x81: {  	v0 =	vadd.f32 v63, v0;
	v63 =	vor.u32 $0x300, v28;
	v48 =	vld.idx.msk [tilespmem:v48+s9+$0x0], $0xffff  }
0x82: {  	v57 =	vor.u32 $0x380, v42;
	v43 =	vadd.f32 v47, v43;
	v62 =	vmul.f32 v51, v21;
	v54 =	vld.idx.msk [tilespmem:v54+s9+$0x0], $0xffff  }
0x83: {  	v58 =	vor.u32 $0x280, v37;
	v44 =	vmul.f32 v44, v18;
	v45 =	vor.u32 $0x280, v40;
	v1 =	vld.idx.msk [tilespmem:v1+s9+$0x0], $0xffff  }
0x84: {  	v26 =	vor.u32 $0x380, v26;
	v43 =	vadd.f32 v62, v43;
	v55 =	vmul.f32 v14, v55;
	v61 =	vld.idx.msk [tilespmem:v61+s9+$0x0], $0xffff  }
0x85: {  	v0 =	vadd.f32 v60, v0;
	v60 =	vor.u32 $0x300, v36;
	v53 =	vmul.f32 v53, v24;
	v56 =	vld.idx.msk [tilespmem:v56+s9+$0x0], $0xffff  }
0x86: {  	v38 =	vor.u32 $0x380, v38;
	v40 =	vor.u32 $0x380, v40;
	v62 =	vor.u32 $0x300, v37;
	v51 =	vld.idx.msk [tilespmem:v63+s9+$0x0], $0xffff  }
0x87: {  	v28 =	vor.u32 $0x380, v28;
	v43 =	vadd.f32 v7, v43;
	v53 =	vadd.f32 v53, v55;
	v55 =	vld [tilespmem:$0x1FFF0]  }
0x88: {  	v6 =	vmul.f32 v46, v19;
	[tilespmem:$0x1FF30] =	vst v0;
	v0 =	vld.idx.msk [tilespmem:v58+s9+$0x0], $0xffff;
	v52 =	vmul.f32 v52, v23;
	v63 =	vor.u32 $0x300, v39  }
0x89: {  	v37 =	vor.u32 $0x380, v37;
	v36 =	vor.u32 $0x380, v36;
	v45 =	vld.idx.msk [tilespmem:v45+s9+$0x0], $0xffff;
	v43 =	vadd.f32 v44, v43  }
0x8a: {  	v44 =	vmul.f32 v50, v17;
	v48 =	vmul.f32 v48, v21;
	v7 =	vadd.f32 v52, v53;
	v59 =	vld.idx.msk [tilespmem:v60+s9+$0x0], $0xffff  }
0x8b: {  	v43 =	vadd.f32 v6, v43;
	v60 =	vld.idx.msk [tilespmem:v62+s9+$0x0], $0xffff;
	v47 =	vmul.f32 v14, v61;
	v61 =	vmul.f32 v49, v18  }
0x8c: {  	v62 =	vmul.f32 v56, v23;
	v49 =	vld.idx.msk [tilespmem:v28+s9+$0x0], $0xffff;
	v51 =	vmul.f32 v51, v24;
	v25 =	vadd.s32 v55, v25  }
0x8d: {  	v46 =	vadd.f32 v48, v7;
	v0 =	vmul.f32 v0, v20;
	v53 =	vld.idx.msk [tilespmem:v63+s9+$0x0], $0xffff;
	v28 =	vor.u32 v13, v25  }
0x8e: {  	v63 =	vmul.f32 v54, v19;
	v47 =	vadd.f32 v51, v47;
	v51 =	vld.idx.msk [tilespmem:v26+s9+$0x0], $0xffff;
	v26 =	vor.u32 $0x380, v39  }
0x8f: {  	v38 =	vld.idx.msk [tilespmem:v38+s9+$0x0], $0xffff;
	v10 =	vadd.s32 v55, v10;
	v0 =	vadd.f32 v0, v46;
	v46 =	vadd.s32 v55, v29  }
0x90: {  	v58 =	vld.idx.msk [tilespmem:v36+s9+$0x0], $0xffff;
	v48 =	vadd.s32 v55, v31;
	v52 =	vor.u32 v55, v35;
	v25 =	vor.u32 v27, v46  }
0x91: {  	v36 =	vor.u32 v8, v10;
	v27 =	vor.u32 v30, v48;
	v0 =	vadd.f32 v61, v0;
	v61 =	vld.idx.msk [tilespmem:v37+s9+$0x0], $0xffff  }
0x92: {  	[tilespmem:$0x1FF20] =	vst v2;
	v31 =	vor.u32 v34, v52;
	v54 =	vor.u32 $0x80, v36;
	v6 =	vadd.f32 v62, v47;
	v34 =	vld.idx.msk [tilespmem:v28+s9+$0x0], $0xffff  }
0x93: {  	v62 =	vadd.s32 v55, v22;
	v0 =	vadd.f32 v63, v0;
	v63 =	vmul.f32 v45, v17;
	v45 =	vld.idx.msk [tilespmem:v26+s9+$0x0], $0xffff  }
0x94: {  	v7 =	vmul.f32 v59, v21;
	v59 =	vadd.s32 v55, v15;
	v26 =	vor.u32 v16, v62;
	v16 =	vld.idx.msk [tilespmem:v57+s9+$0x0], $0xffff  }
0x95: {  	v60 =	vmul.f32 v60, v20;
	v30 =	vadd.s32 v55, v33;
	v37 =	vor.u32 v9, v59;
	v42 =	vld.idx.msk [tilespmem:v25+s9+$0x0], $0xffff  }
0x96: {  	v59 =	vmul.f32 v41, v17;
	v22 =	vor.u32 v32, v30;
	v39 =	vadd.f32 v7, v6;
	v41 =	vld.idx.msk [tilespmem:v27+s9+$0x0], $0xffff  }
0x97: {  	v1 =	vmul.f32 v1, v19;
	v2 =	vadd.f32 v44, v43;
	v0 =	vadd.f32 v63, v0;
	v63 =	vld.idx.msk [tilespmem:v54+s9+$0x0], $0xffff  }
0x98: {  	v29 =	vor.u32 v11, v52;
	v50 =	vmul.f32 v49, v24;
	v10 =	vadd.f32 v60, v39;
	v39 =	vld.idx.msk [tilespmem:v40+s9+$0x0], $0xffff  }
0x99: {  	v47 =	vmul.f32 v14, v51;
	v57 =	vmul.f32 v58, v21;
	v58 =	vor.u32 $0x80, v37;
	v40 =	vld.idx.msk [tilespmem:v36+s9+$0x0], $0xffff  }
0x9a: {  	v51 =	vmul.f32 v53, v18;
	v53 =	vmul.f32 v38, v23;
	v33 =	vld.idx.msk [tilespmem:v37+s9+$0x0], $0xffff;
	v60 =	vor.u32 $0x80, v26  }
0x9b: {  	v15 =	vmul.f32 v61, v20;
	v61 =	vor.u32 $0x80, v28;
	v13 =	vadd.f32 v50, v47;
	v47 =	vld.idx.msk [tilespmem:v22+s9+$0x0], $0xffff  }
0x9c: {  	v6 =	vor.u32 $0x80, v27;
	v54 =	vor.u32 $0x80, v29;
	[tilespmem:$0x1FF50] =	vst v0;
	v0 =	vld.idx.msk [tilespmem:v31+s9+$0x0], $0xffff;
	v8 =	vadd.f32 v51, v10  }
0x9d: {  	v62 =	vor.u32 $0x80, v25;
	v50 =	vor.u32 $0x80, v22;
	v56 =	vadd.f32 v53, v13;
	v35 =	vld.idx.msk [tilespmem:v26+s9+$0x0], $0xffff  }
0x9e: {  	v1 =	vadd.f32 v1, v8;
	v7 =	vmul.f32 v45, v18;
	v49 =	vld.idx.msk [tilespmem:v58+s9+$0x0], $0xffff;
	v16 =	vmul.f32 v16, v19  }
0x9f: {  	v13 =	vadd.f32 v57, v56;
	v51 =	vmul.f32 v14, v40;
	v52 =	vmul.f32 v33, v24;
	v53 =	vld.idx.msk [tilespmem:v60+s9+$0x0], $0xffff  }
0xa0: {  	v56 =	vld.idx.msk [tilespmem:v61+s9+$0x0], $0xffff;
	v57 =	vor.u32 $0x100, v36;
	v60 =	vor.u32 $0x100, v26;
	v61 =	vmul.f32 v34, v21  }
0xa1: {  	v40 =	vld.idx.msk [tilespmem:v54+s9+$0x0], $0xffff;
	v54 =	vor.u32 $0x100, v31;
	v1 =	vadd.f32 v59, v1;
	v59 =	vor.u32 $0x100, v37  }
0xa2: {  	v34 =	vld.idx.msk [tilespmem:v50+s9+$0x0], $0xffff;
	v47 =	vmul.f32 v47, v19;
	v0 =	vmul.f32 v0, v17;
	v50 =	vor.u32 $0x300, v22  }
0xa3: {  	v11 =	vadd.f32 v52, v51;
	v52 =	vor.u32 $0x100, v22;
	[tilespmem:$0x1FF60] =	vst v1;
	v1 =	vadd.f32 v15, v13  }
0xa4: {  	v15 =	vld.idx.msk [tilespmem:v6+s9+$0x0], $0xffff;
	v13 =	vmul.f32 v14, v63;
	v63 =	vor.u32 $0x100, v25;
	v6 =	vmul.f32 v42, v20  }
0xa5: {  	v58 =	vmul.f32 v35, v23;
	v35 =	vld.idx.msk [tilespmem:v62+s9+$0x0], $0xffff;
	v62 =	vor.u32 $0x100, v28;
	v44 =	vmul.f32 v49, v24  }
0xa6: {  	v49 =	vor.u32 $0x300, v27;
	v1 =	vadd.f32 v7, v1;
	v42 =	vld.idx.msk [tilespmem:v57+s9+$0x0], $0xffff;
	v33 =	vmul.f32 v53, v23  }
0xa7: {  	v7 =	vor.u32 $0x100, v27;
	v53 =	vmul.f32 v41, v18;
	v56 =	vmul.f32 v56, v21;
	v43 =	vld.idx.msk [tilespmem:v59+s9+$0x0], $0xffff  }
0xa8: {  	v13 =	vadd.f32 v44, v13;
	v1 =	vadd.f32 v16, v1;
	v16 =	vmul.f32 v39, v17;
	v39 =	vld.idx.msk [tilespmem:v60+s9+$0x0], $0xffff  }
0xa9: {  	v57 =	vor.u32 $0x180, v36;
	v40 =	vmul.f32 v40, v17;
	v11 =	vadd.f32 v58, v11;
	v48 =	vld.idx.msk [tilespmem:v63+s9+$0x0], $0xffff  }
0xaa: {  	v58 =	vor.u32 $0x180, v37;
	v8 =	vmul.f32 v34, v19;
	v13 =	vadd.f32 v33, v13;
	v33 =	vld.idx.msk [tilespmem:v54+s9+$0x0], $0xffff  }
0xab: {  	v60 =	vor.u32 $0x180, v26;
	v11 =	vadd.f32 v61, v11;
	v61 =	vor.u32 $0x180, v28;
	v38 =	vld.idx.msk [tilespmem:v62+s9+$0x0], $0xffff  }
0xac: {  	v54 =	vor.u32 v12, v30;
	v30 =	vor.u32 $0x200, v36;
	v1 =	vadd.f32 v16, v1;
	v16 =	vld.idx.msk [tilespmem:v52+s9+$0x0], $0xffff  }
0xad: {  	v15 =	vmul.f32 v15, v18;
	v59 =	vmul.f32 v35, v20;
	v62 =	vor.u32 $0x180, v25;
	v35 =	vld.idx.msk [tilespmem:v7+s9+$0x0], $0xffff  }
0xae: {  	v10 =	vor.u32 $0x180, v54;
	v52 =	vor.u32 $0x200, v37;
	v11 =	vadd.f32 v6, v11;
	v63 =	vld.idx.msk [tilespmem:v57+s9+$0x0], $0xffff  }
0xaf: {  	v54 =	vor.u32 $0x380, v54;
	v13 =	vadd.f32 v56, v13;
	v6 =	vor.u32 $0x180, v27;
	v9 =	vld.idx.msk [tilespmem:v58+s9+$0x0], $0xffff  }
0xb0: {  	v42 =	vmul.f32 v14, v42;
	v57 =	vor.u32 $0x280, v37;
	v32 =	vadd.f32 v53, v11;
	v46 =	vld.idx.msk [tilespmem:v60+s9+$0x0], $0xffff  }
0xb1: {  	v43 =	vmul.f32 v43, v24;
	v13 =	vadd.f32 v59, v13;
	v11 =	vor.u32 $0x180, v29;
	v59 =	vld.idx.msk [tilespmem:v30+s9+$0x0], $0xffff  }
0xb2: {  	[tilespmem:$0x1FF70] =	vst v1;
	v39 =	vmul.f32 v39, v23;
	v53 =	vor.u32 $0x280, v36;
	v1 =	vadd.f32 v47, v32;
	v32 =	vld.idx.msk [tilespmem:v61+s9+$0x0], $0xffff  }
0xb3: {  	v60 =	vor.u32 $0x200, v28;
	v42 =	vadd.f32 v43, v42;
	v58 =	vmul.f32 v48, v20;
	v41 =	vld.idx.msk [tilespmem:v62+s9+$0x0], $0xffff  }
0xb4: {  	v33 =	vmul.f32 v33, v17;
	v7 =	vadd.f32 v15, v13;
	v38 =	vmul.f32 v38, v21;
	v34 =	vld.idx.msk [tilespmem:v10+s9+$0x0], $0xffff  }
0xb5: {  	v43 =	vld.idx.msk [tilespmem:v52+s9+$0x0], $0xffff;
	v62 =	vor.u32 $0x280, v26;
	v16 =	vmul.f32 v16, v19;
	v10 =	vor.u32 $0x280, v25  }
0xb6: {  	v52 =	vor.u32 $0x300, v37;
	v39 =	vadd.f32 v39, v42;
	v56 =	vmul.f32 v14, v63;
	v45 =	vld.idx.msk [tilespmem:v57+s9+$0x0], $0xffff  }
0xb7: {  	v35 =	vmul.f32 v35, v18;
	v12 =	vadd.f32 v8, v7;
	v0 =	vadd.f32 v0, v1;
	v44 =	vld.idx.msk [tilespmem:v11+s9+$0x0], $0xffff  }
0xb8: {  	s26 =	sor.u32 $0x10, s24;
	v63 =	vor.u32 $0x200, v25;
	v1 =	vor.u32 $0x200, v26;
	v15 =	vmul.f32 v9, v24;
	v9 =	vld.idx.msk [tilespmem:v60+s9+$0x0], $0xffff  }
0xb9: {  	s28 =	sadd.s32 s26, s28;
	v7 =	vor.u32 $0x200, v27;
	v38 =	vadd.f32 v38, v39;
	[tilespmem:$0x1FF80] =	vst v0;
	v0 =	vadd.f32 v40, v12;
	v40 =	vld.idx.msk [tilespmem:v53+s9+$0x0], $0xffff  }
0xba: {  	v61 =	vmul.f32 v46, v23;
	v11 =	vor.u32 $0x300, v36;
	v39 =	vor.u32 $0x200, v31;
	v12 =	vld [tilespmem:s28+$0x180]  }
0xbb: {  	v15 =	vadd.f32 v15, v56;
	v47 =	vmul.f32 v14, v59;
	v32 =	vmul.f32 v32, v21;
	v46 =	vld.idx.msk [tilespmem:v62+s9+$0x0], $0xffff  }
0xbc: {  	v38 =	vadd.f32 v58, v38;
	v8 =	vmul.f32 v41, v20;
	v43 =	vmul.f32 v43, v24;
	v60 =	vld.idx.msk [tilespmem:v10+s9+$0x0], $0xffff  }
0xbd: {  	v34 =	vmul.f32 v34, v19;
	[tilespmem:$0x1FF90] =	vst v0;
	v0 =	vld.idx.msk [tilespmem:v6+s9+$0x0], $0xffff;
	v15 =	vadd.f32 v61, v15;
	v6 =	vor.u32 $0x280, v28  }
0xbe: {  	v51 =	vld.idx.msk [tilespmem:v63+s9+$0x0], $0xffff;
	v58 =	vmul.f32 v45, v24;
	v45 =	vor.u32 $0x280, v29;
	v35 =	vadd.f32 v35, v38  }
0xbf: {  	v29 =	vor.u32 $0x380, v29;
	v1 =	vld.idx.msk [tilespmem:v1+s9+$0x0], $0xffff;
	v53 =	vadd.f32 v43, v47;
	v15 =	vadd.f32 v32, v15  }
0xc0: {  	v13 =	vld [tilespmem:s28+$0x200];
	v59 =	vmul.f32 v9, v21;
	v16 =	vadd.f32 v16, v35;
	v57 =	vmul.f32 v14, v40  }
0xc1: {  	v56 =	vld.idx.msk [tilespmem:v7+s9+$0x0], $0xffff;
	v40 =	vor.u32 $0x280, v27;
	v35 =	vand.u32 $0xFFFFFFF8, v12;
	v27 =	vor.u32 $0x380, v27  }
0xc2: {  	v62 =	vld.idx.msk [tilespmem:v11+s9+$0x0], $0xffff;
	v15 =	vadd.f32 v8, v15;
	v61 =	vmul.f32 v46, v23;
	v10 =	vmul.f32 v60, v20  }
0xc3: {  	v9 =	vld [tilespmem:s28+$0x0];
	v35 =	vor.u32 $0x3, v35;
	v46 =	vor.u32 $0x380, v26;
	v0 =	vmul.f32 v0, v18  }
0xc4: {  	v11 =	vld [tilespmem:s28+$0x80];
	v38 =	vadd.f32 v58, v57;
	v32 =	vmul.f32 v51, v20;
	v1 =	vmul.f32 v1, v23  }
0xc5: {  	[tilespmem:$0x1FF40] =	vst v2;
	v42 =	vld.idx.msk [tilespmem:v6+s9+$0x0], $0xffff;
	v6 =	vmul.f32 v44, v17;
	v2 =	vadd.f32 v33, v16;
	v44 =	vor.u32 $0x280, v22  }
0xc6: {  	v57 =	vor.u32 $0x300, v26;
	v51 =	vor.u32 $0x300, v31;
	v58 =	vld [tilespmem:s28+$0x380];
	v1 =	vadd.f32 v1, v53  }
0xc7: {  	v16 =	vld [tilespmem:s28+$0x300];
	v8 =	vmul.f32 v56, v18;
	v0 =	vadd.f32 v0, v15;
	v38 =	vadd.f32 v61, v38  }
0xc8: {  	[tilespmem:$0x1FFA0] =	vst v2;
	v2 =	vor.u32 $0x300, v25;
	v33 =	vand.u32 $0xFFFFFFF8, v9;
	v1 =	vadd.f32 v59, v1  }
0xc9: {  	v63 =	vld.idx.msk [tilespmem:v52+s9+$0x0], $0xffff;
	v60 =	vand.u32 $0xFFFFFFF8, v11;
	v61 =	vand.u32 $0xFFFFFFF8, v13;
	v0 =	vadd.f32 v34, v0  }
0xca: {  	v15 =	vld [tilespmem:s28+$0x280];
	v7 =	vmul.f32 v42, v21;
	v42 =	vor.u32 $0x380, v36;
	v1 =	vadd.f32 v32, v1  }
0xcb: {  	v36 =	vor.u32 $0x1, v60;
	v31 =	vor.u32 $0x7, v58;
	v0 =	vadd.f32 v6, v0  }
0xcc: {  	v32 =	vor.u32 $0x200, v22;
	v22 =	vand.u32 $0xFFFFFFF8, v16;
	v1 =	vadd.f32 v8, v1  }
0xcd: {  	vm8 =	vgt.s32 v33, v36;
	[tilespmem:$0x1FFB0] =	vst v0;
	v0 =	vadd.f32 v7, v38;
	v22 =	vor.u32 $0x6, v22  }
0xce: {  	v34 =	vmul.f32 v63, v24;
	v63 =	vsel vm8, v36, v33;
	vm11 =	vgt.s32 v22, v31;
	[tilespmem:$0x1FE30] =	vst v1;
	v1 =	vld [tilespmem:s28+$0x100]  }
0xcf: {  	v56 =	vadd.f32 v10, v0;
	v0 =	vmul.f32 v14, v62;
	v62 =	vand.u32 $0xFFFFFFF8, v15  }
0xd0: {  	v33 =	vsel vm8, v33, v36;
	v8 =	vsel vm11, v31, v22;
	v38 =	vor.u32 $0x5, v62  }
0xd1: {  	v59 =	vadd.f32 v34, v0;
	v0 =	vor.u32 $0x380, v37;
	v37 =	vor.u32 $0x4, v61  }
0xd2: {  	v22 =	vsel vm11, v22, v31;
	v34 =	vor.u32 $0x300, v28;
	vm10 =	vgt.s32 v37, v38  }
0xd3: {  	v7 =	vsel vm10, v38, v37;
	v37 =	vsel vm10, v37, v38;
	v1 =	vand.u32 $0xFFFFFFF8, v1  }
0xd4: {  	vm14 =	vgt.s32 v7, v8;
	vm15 =	vgt.s32 v37, v22;
	v1 =	vor.u32 $0x2, v1  }
0xd5: {  	v11 =	vsel vm14, v8, v7;
	v12 =	vsel vm15, v22, v37;
	vm9 =	vgt.s32 v1, v35  }
0xd6: {  	v37 =	vsel vm15, v37, v22;
	v6 =	vsel vm9, v35, v1;
	v1 =	vsel vm9, v1, v35  }
0xd7: {  	v35 =	vsel vm14, v7, v8;
	vm12 =	vgt.s32 v63, v6;
	vm13 =	vgt.s32 v33, v1  }
0xd8: {  	vm5 =	vgt.s32 v12, v35;
	v9 =	vsel vm12, v6, v63;
	v36 =	vsel vm12, v63, v6  }
0xd9: {  	v10 =	vsel vm13, v1, v33;
	v1 =	vsel vm13, v33, v1;
	v15 =	vsel vm5, v35, v12  }
0xda: {  	v35 =	vsel vm5, v12, v35;
	vm4 =	vgt.s32 v10, v36;
	vm6 =	vgt.s32 v9, v11  }
0xdb: {  	v12 =	vld.idx.msk [tilespmem:v40+s9+$0x0], $0xffff;
	vm9 =	vgt.s32 v1, v37;
	v13 =	vsel vm4, v36, v10;
	v36 =	vsel vm4, v10, v36  }
0xdc: {  	v22 =	vsel vm6, v11, v9;
	v31 =	vsel vm6, v9, v11;
	v48 =	vsel vm9, v37, v1  }
0xdd: {  	v5 =	vsel vm9, v1, v37;
	vm7 =	vgt.s32 v13, v15;
	vm8 =	vgt.s32 v36, v35  }
0xde: {  	v38 =	vand.u32 $0x7, v5;
	v16 =	vsel vm7, v15, v13;
	v43 =	vsel vm8, v35, v36  }
0xdf: {  	v41 =	vsel vm7, v13, v15;
	v35 =	vsel vm8, v36, v35;
	vm10 =	vgt.s32 v43, v31  }
0xe0: {  	vm11 =	vgt.s32 v48, v41;
	v12 =	vmul.f32 v12, v18;
	v1 =	vsel vm10, v31, v43  }
0xe1: {  	v31 =	vsel vm10, v43, v31;
	v52 =	vsel vm11, v41, v48;
	v36 =	vsel vm11, v48, v41  }
0xe2: {  	vm12 =	vgt.s32 v16, v1;
	vm13 =	vgt.s32 v52, v31;
	vm14 =	vgt.s32 v36, v35  }
0xe3: {  	v63 =	vsel vm12, v1, v16;
	v30 =	vsel vm12, v16, v1;
	v61 =	vsel vm13, v31, v52  }
0xe4: {  	v62 =	vsel vm13, v52, v31;
	v58 =	vsel vm14, v36, v35;
	v60 =	vsel vm14, v35, v36  }
0xe5: {  	v31 =	vshll.u32 v3, v38;
	v16 =	vand.u32 $0x7, v22;
	v53 =	vand.u32 $0x7, v58  }
0xe6: {  	v6 =	vand.u32 $0x7, v60;
	v7 =	vand.u32 $0x7, v62;
	v8 =	vand.u32 $0x7, v61  }
0xe7: {  	v9 =	vand.u32 $0x7, v30;
	v11 =	vand.u32 $0x7, v63;
	v26 =	vshll.u32 v3, v53  }
0xe8: {  	v41 =	vld.idx.msk [tilespmem:v44+s9+$0x0], $0xffff;
	v44 =	vshll.u32 v3, v16;
	v33 =	vshll.u32 v3, v6;
	v13 =	vadd.s32 v31, v26  }
0xe9: {  	v35 =	vshll.u32 v3, v7;
	v10 =	vshll.u32 v3, v8;
	v26 =	vld.idx.msk [tilespmem:v32+s9+$0x0], $0xffff;
	v47 =	vadd.s32 v33, v13  }
0xea: {  	v32 =	vshll.u32 v3, v9;
	v52 =	vadd.s32 v35, v47;
	v35 =	vshll.u32 v3, v11;
	v3 =	vld.idx.msk [tilespmem:v45+s9+$0x0], $0xffff  }
0xeb: {  	v29 =	vld.idx.msk [tilespmem:v29+s9+$0x0], $0xffff;
	v25 =	vor.u32 $0x380, v25;
	v28 =	vor.u32 $0x380, v28;
	v53 =	vadd.s32 v10, v52  }
0xec: {  	vm15 =	veq.s32 v38, $0x7;
	v43 =	vld.idx.msk [tilespmem:v39+s9+$0x0], $0xffff;
	v12 =	vadd.f32 v12, v56;
	v39 =	vadd.s32 v32, v53  }
0xed: {  	v16 =	vld.idx.msk [tilespmem:v34+s9+$0x0], $0xffff;
	v41 =	vmul.f32 v41, v19;
	v34 =	vshll.u32 v47, $0x3;
	v48 =	vadd.s32 v35, v39  }
0xee: {  	v7 =	vld.idx.msk [tilespmem:v0+s9+$0x0], $0xffff;
	v0 =	vand.u32 $0x7F, v52;
	v45 =	vshll.u32 v53, $0x3;
	v32 =	vadd.s32 v44, v48  }
0xef: {  	v27 =	vld.idx.msk [tilespmem:v27+s9+$0x0], $0xffff;
	v33 =	vshll.u32 v48, $0x3;
	[tilespmem:$0x1FE40] =	vst v3;
	v11 =	vshll.u32 v32, $0x3;
	v3 =	vand.u32 $0x7F, v32  }
0xf0: {  	[tilespmem:$0x1FE50] =	vst v5;
	v36 =	vand.u32 $0x7FFFFC00, v33;
	v33 =	vld.idx.msk [tilespmem:v2+s9+$0x0], $0xffff;
	v2 =	vand.u32 $0x7F, v48;
	v5 =	vand.u32 $0x7FFFFC00, v11  }
0xf1: {  	v25 =	vld.idx.msk [tilespmem:v25+s9+$0x0], $0xffff;
	v44 =	vadd.s32 v4, v36;
	v11 =	vshll.u32 v52, $0x3;
	v40 =	vadd.s32 v4, v5  }
0xf2: {  	v35 =	vld.idx.msk [tilespmem:v49+s9+$0x0], $0xffff;
	[tilespmem:$0x1FE90] =	vst v2;
	v32 =	vor.u32 v2, v44;
	v2 =	vand.u32 $0x7F, v39;
	v39 =	vshll.u32 v39, $0x3  }
0xf3: {  	[tilespmem:$0x1FE60] =	vst v5;
	v5 =	vld.idx.msk [tilespmem:v42+s9+$0x0], $0xffff;
	v44 =	vand.u32 $0x7F, v47;
	v42 =	vshll.u32 v13, $0x3;
	v49 =	vor.u32 v3, v40  }
0xf4: {  	v48 =	vld.idx.msk [tilespmem:v51+s9+$0x0], $0xffff;
	[tilespmem:$0x1FE80] =	vst v3;
	v51 =	vand.u32 $0x7FFFFC00, v39;
	v3 =	vand.u32 $0x7F, v53;
	v40 =	vand.u32 $0x7FFFFC00, v11  }
0xf5: {  	v28 =	vld.idx.msk [tilespmem:v28+s9+$0x0], $0xffff;
	[tilespmem:$0x1FED0] =	vst v0;
	v39 =	vand.u32 $0x7FFFFC00, v45;
	v15 =	vadd.s32 v4, v40;
	v37 =	vor.u32 $0x80, v49  }
0xf6: {  	v10 =	vld.idx.msk [tilespmem:v57+s9+$0x0], $0xffff;
	[tilespmem:$0x1FE70] =	vst v36;
	v57 =	vadd.s32 v4, v51;
	v52 =	vor.u32 v0, v15;
	v0 =	vor.u32 $0x80, v32  }
0xf7: {  	v36 =	vld.idx.msk [tilespmem:v50+s9+$0x0], $0xffff;
	v45 =	vand.u32 $0x1C00, v34;
	[tilespmem:$0x1FEA0] =	vst v51;
	v9 =	vadd.s32 v4, v39;
	v51 =	vor.u32 v2, v57  }
0xf8: {  	v11 =	vld.idx.msk [tilespmem:v54+s9+$0x0], $0xffff;
	v47 =	vand.u32 $0xC00, v42;
	v50 =	vor.u32 v3, v9;
	v1 =	vor.u32 $0x80, v51  }
0xf9: {  	[tilespmem:$0x1FEB0] =	vst v2;
	v38 =	vadd.s32 v4, v45;
	v9 =	vld.idx.msk [tilespmem:v46+s9+$0x0], $0xffff;
	v2 =	vimm.s32 $0x0;
	v54 =	vor.u32 $0x80, v50  }
0xfa: {  	v53 =	vor.u32 v44, v38;
	v42 =	vsel vm15, $0x400, v2;
	v2 =	vor.u32 $0x80, v52;
	v15 =	vld.idx.msk [tilespmem:v37+s9+$0x0], $0xffff  }
0xfb: {  	v10 =	vmul.f32 v10, v23;
	[tilespmem:$0x1FEC0] =	vst v3;
	v3 =	vor.u32 $0x80, v53;
	v5 =	vmul.f32 v14, v5;
	v14 =	vld.idx.msk [tilespmem:v0+s9+$0x0], $0xffff  }
0xfc: {  	v56 =	vor.u32 $0x100, v32;
	v8 =	vor.u32 v4, v47;
	v46 =	vand.u32 $0x7F, v13;
	v0 =	vld [tilespmem:$0x1FE30]  }
0xfd: {  	v10 =	vadd.f32 v10, v59;
	v57 =	vor.u32 v46, v8;
	v59 =	vor.u32 $0x100, v51;
	v34 =	vld.idx.msk [tilespmem:v1+s9+$0x0], $0xffff  }
0xfe: {  	v7 =	vmul.f32 v7, v24;
	v33 =	vmul.f32 v33, v20;
	v6 =	vor.u32 $0x80, v57;
	v54 =	vld.idx.msk [tilespmem:v54+s9+$0x0], $0xffff  }
0xff: {  	v20 =	vmul.f32 v25, v20;
	v25 =	vmul.f32 v48, v17;
	v4 =	vor.u32 v4, v42;
	v37 =	vld.idx.msk [tilespmem:v2+s9+$0x0], $0xffff  }
0x100: {  	v48 =	vor.u32 $0x180, v53;
	v38 =	vor.u32 v31, v4;
	v5 =	vadd.f32 v7, v5;
	v7 =	vld.idx.msk [tilespmem:v3+s9+$0x0], $0xffff  }
0x101: {  	v1 =	vor.u32 $0x80, v38;
	v2 =	vld.idx.msk [tilespmem:v56+s9+$0x0], $0xffff  }
0x102: {  	v12 =	vadd.f32 v41, v12;
	v41 =	vld.idx.msk [tilespmem:v59+s9+$0x0], $0xffff  }
0x103: {  	v26 =	vmul.f32 v26, v19;
	v23 =	vmul.f32 v9, v23;
	v3 =	vld.idx.msk [tilespmem:v6+s9+$0x0], $0xffff;
	v6 =	vor.u32 $0x100, v50  }
0x104: {  	v24 =	vor.u32 $0x100, v49;
	v59 =	vmul.f32 v35, v18;
	v35 =	vld.idx.msk [tilespmem:v49+s9+$0x0], $0xffff  }
0x105: {  	v48 =	vld.idx.msk [tilespmem:v48+s9+$0x0], $0xffff;
	v26 =	vadd.f32 v26, v0;
	v0 =	vmul.f32 v16, v21;
	v16 =	vadd.f32 v23, v5  }
0x106: {  	[tilespmem:$0x1FEE0] =	vst v31;
	v21 =	vmul.f32 v28, v21;
	v5 =	vand.u32 $0x7F, v31;
	v9 =	vld.idx.msk [tilespmem:v1+s9+$0x0], $0xffff;
	v1 =	vor.u32 $0x100, v52  }
0x107: {  	v43 =	vmul.f32 v43, v17;
	v31 =	vor.u32 $0x180, v49;
	[tilespmem:$0x1FEF0] =	vst v5;
	v56 =	vor.u32 v5, v4;
	v5 =	vld [tilespmem:$0x1FE40]  }
0x108: {  	v0 =	vadd.f32 v0, v10;
	v4 =	vld.idx.msk [tilespmem:v6+s9+$0x0], $0xffff;
	v6 =	vor.u32 $0x100, v57;
	v10 =	vadd.f32 v21, v16  }
0x109: {  	v36 =	vmul.f32 v36, v19;
	v11 =	vmul.f32 v11, v19;
	v43 =	vadd.f32 v43, v26;
	v26 =	vld.idx.msk [tilespmem:v24+s9+$0x0], $0xffff  }
0x10a: {  	v0 =	vadd.f32 v33, v0;
	v10 =	vadd.f32 v20, v10;
	v20 =	vld.idx.msk [tilespmem:v32+s9+$0x0], $0xffff;
	v33 =	vor.u32 $0x180, v32  }
0x10b: {  	v19 =	vsub.f32 v63, v22;
	v18 =	vmul.f32 v27, v18;
	v24 =	vor.u32 $0x100, v53;
	v23 =	vld.idx.msk [tilespmem:v1+s9+$0x0], $0xffff  }
0x10c: {  	v21 =	vmul.f32 v5, v17;
	v0 =	vadd.f32 v59, v0;
	v17 =	vmul.f32 v29, v17;
	v29 =	vld.idx.msk [tilespmem:v31+s9+$0x0], $0xffff  }
0x10d: {  	v15 =	vmul.f32 v22, v15;
	v1 =	vor.u32 $0x100, v56;
	v10 =	vadd.f32 v18, v10;
	v6 =	vld.idx.msk [tilespmem:v6+s9+$0x0], $0xffff  }
0x10e: {  	v59 =	vor.u32 $0x180, v51;
	v5 =	vadd.f32 v21, v12;
	v12 =	vadd.f32 v36, v0;
	v0 =	vld [tilespmem:$0x1FE50]  }
0x10f: {  	v14 =	vmul.f32 v14, v19;
	v21 =	vmul.f32 v22, v35;
	v35 =	vld.idx.msk [tilespmem:v33+s9+$0x0], $0xffff  }
0x110: {  	v18 =	vsub.f32 v60, v62;
	v10 =	vadd.f32 v11, v10;
	v36 =	vor.u32 $0x180, v52;
	v33 =	vld.idx.msk [tilespmem:v51+s9+$0x0], $0xffff  }
0x111: {  	v11 =	vadd.f32 v14, v15;
	v20 =	vmul.f32 v19, v20;
	[tilespmem:$0x1FFD0] =	vst v5;
	v5 =	vld.idx.msk [tilespmem:v24+s9+$0x0], $0xffff  }
0x112: {  	v26 =	vmul.f32 v22, v26;
	v27 =	vadd.f32 v17, v10;
	v24 =	vsub.f32 v30, v63;
	v16 =	vld.idx.msk [tilespmem:v1+s9+$0x0], $0xffff  }
0x113: {  	v1 =	vor.u32 $0x180, v50;
	v10 =	vld.idx.msk [tilespmem:v59+s9+$0x0], $0xffff;
	v59 =	vor.u32 v13, v8;
	v8 =	vadd.f32 v20, v21  }
0x114: {  	v15 =	vld.idx.msk [tilespmem:v50+s9+$0x0], $0xffff;
	v21 =	vsub.f32 v61, v30;
	v20 =	vsub.f32 v62, v61;
	v61 =	vor.u32 $0x200, v49  }
0x115: {  	v28 =	vadd.f32 v25, v12;
	v17 =	vsub.f32 v58, v60;
	v31 =	vmul.f32 v34, v24;
	v36 =	vld.idx.msk [tilespmem:v36+s9+$0x0], $0xffff  }
0x116: {  	[tilespmem:$0x1FFC0] =	vst v43;
	v60 =	vor.u32 $0x200, v52;
	v62 =	vor.u32 $0x200, v32;
	v14 =	vsub.f32 v0, v58;
	v58 =	vld.idx.msk [tilespmem:v52+s9+$0x0], $0xffff  }
0x117: {  	v34 =	vmul.f32 v2, v19;
	v43 =	vmul.f32 v24, v33;
	v11 =	vadd.f32 v31, v11;
	v31 =	vld.idx.msk [tilespmem:v57+s9+$0x0], $0xffff  }
0x118: {  	v54 =	vmul.f32 v54, v21;
	v2 =	vmul.f32 v37, v20;
	v37 =	vor.u32 $0x200, v56;
	v12 =	vld.idx.msk [tilespmem:v1+s9+$0x0], $0xffff  }
0x119: {  	v41 =	vmul.f32 v41, v24;
	v15 =	vmul.f32 v21, v15;
	v8 =	vadd.f32 v8, v43;
	v61 =	vld.idx.msk [tilespmem:v61+s9+$0x0], $0xffff  }
0x11a: {  	v0 =	vor.u32 $0x280, v51;
	v26 =	vadd.f32 v34, v26;
	v11 =	vadd.f32 v54, v11;
	v54 =	vld.idx.msk [tilespmem:v53+s9+$0x0], $0xffff  }
0x11b: {  	v30 =	vor.u32 $0x180, v38;
	v1 =	vor.u32 $0x180, v59;
	v8 =	vadd.f32 v8, v15;
	v15 =	vld.idx.msk [tilespmem:v62+s9+$0x0], $0xffff  }
0x11c: {  	v4 =	vmul.f32 v4, v21;
	v26 =	vadd.f32 v41, v26;
	v2 =	vadd.f32 v2, v11;
	v11 =	vld.idx.msk [tilespmem:v60+s9+$0x0], $0xffff  }
0x11d: {  	v29 =	vmul.f32 v22, v29;
	v43 =	vor.u32 $0x200, v51;
	v60 =	vld.idx.msk [tilespmem:v37+s9+$0x0], $0xffff  }
0x11e: {  	v35 =	vmul.f32 v35, v19;
	v41 =	vor.u32 $0x280, v53;
	v4 =	vadd.f32 v4, v26;
	v26 =	vld.idx.msk [tilespmem:v56+s9+$0x0], $0xffff  }
0x11f: {  	v25 =	vmov v13;
	v13 =	vmul.f32 v20, v58;
	v58 =	vor.u32 $0x200, v53;
	v0 =	vld.idx.msk [tilespmem:v0+s9+$0x0], $0xffff  }
0x120: {  	v29 =	vadd.f32 v35, v29;
	v10 =	vmul.f32 v10, v24;
	v62 =	vor.u32 $0x200, v57;
	v33 =	vld.idx.msk [tilespmem:v1+s9+$0x0], $0xffff  }
0x121: {  	v7 =	vmul.f32 v7, v18;
	v48 =	vmul.f32 v48, v18;
	v37 =	vor.u32 $0x280, v52;
	v1 =	vld.idx.msk [tilespmem:v30+s9+$0x0], $0xffff  }
0x122: {  	v3 =	vmul.f32 v3, v17;
	v10 =	vadd.f32 v10, v29;
	v29 =	vor.u32 $0x300, v51;
	v43 =	vld.idx.msk [tilespmem:v43+s9+$0x0], $0xffff  }
0x123: {  	v23 =	vmul.f32 v23, v20;
	v8 =	vadd.f32 v8, v13;
	v13 =	vor.u32 $0x280, v49;
	v41 =	vld.idx.msk [tilespmem:v41+s9+$0x0], $0xffff  }
0x124: {  	v2 =	vadd.f32 v7, v2;
	v7 =	vor.u32 $0x280, v50;
	v34 =	vmul.f32 v18, v54;
	v54 =	vld.idx.msk [tilespmem:v58+s9+$0x0], $0xffff  }
0x125: {  	v31 =	vmul.f32 v17, v31;
	v23 =	vadd.f32 v23, v4;
	v58 =	vor.u32 $0x280, v32;
	v62 =	vld.idx.msk [tilespmem:v62+s9+$0x0], $0xffff  }
0x126: {  	v30 =	vor.u32 $0x200, v50;
	v12 =	vmul.f32 v12, v21;
	v4 =	vmul.f32 v14, v26;
	v26 =	vld.idx.msk [tilespmem:v37+s9+$0x0], $0xffff  }
0x127: {  	v2 =	vadd.f32 v3, v2;
	v3 =	vor.u32 $0x280, v38;
	v8 =	vadd.f32 v8, v34;
	v29 =	vld.idx.msk [tilespmem:v29+s9+$0x0], $0xffff  }
0x128: {  	v9 =	vmul.f32 v9, v14;
	v10 =	vadd.f32 v12, v10;
	v12 =	vor.u32 $0x300, v49;
	v35 =	vld.idx.msk [tilespmem:v13+s9+$0x0], $0xffff  }
0x129: {  	v36 =	vmul.f32 v36, v20;
	v34 =	vor.u32 $0x300, v52;
	v8 =	vadd.f32 v8, v31;
	v7 =	vld.idx.msk [tilespmem:v7+s9+$0x0], $0xffff  }
0x12a: {  	v15 =	vmul.f32 v15, v19;
	v13 =	vmul.f32 v5, v18;
	v63 =	vld.idx.msk [tilespmem:v58+s9+$0x0], $0xffff;
	v58 =	vor.u32 $0x280, v57  }
0x12b: {  	v30 =	vld.idx.msk [tilespmem:v30+s9+$0x0], $0xffff;
	v4 =	vadd.f32 v8, v4;
	v8 =	vadd.f32 v9, v2;
	v2 =	vor.u32 $0x300, v50  }
0x12c: {  	v31 =	vor.u32 $0x300, v32;
	v10 =	vadd.f32 v36, v10;
	v36 =	vmul.f32 v22, v61;
	v3 =	vld.idx.msk [tilespmem:v3+s9+$0x0], $0xffff  }
0x12d: {  	v6 =	vmul.f32 v6, v17;
	v5 =	vmul.f32 v16, v14;
	v23 =	vadd.f32 v13, v23;
	v12 =	vld.idx.msk [tilespmem:v12+s9+$0x0], $0xffff  }
0x12e: {  	v33 =	vmul.f32 v33, v17;
	v15 =	vadd.f32 v15, v36;
	v10 =	vadd.f32 v48, v10;
	v48 =	vld.idx.msk [tilespmem:v34+s9+$0x0], $0xffff  }
0x12f: {  	v13 =	vmul.f32 v43, v24;
	v34 =	vor.u32 $0x380, v32;
	v9 =	vld.idx.msk [tilespmem:v58+s9+$0x0], $0xffff;
	v58 =	vor.u32 $0x300, v53  }
0x130: {  	v6 =	vadd.f32 v6, v23;
	v35 =	vmul.f32 v22, v35;
	v23 =	vld.idx.msk [tilespmem:v2+s9+$0x0], $0xffff;
	v2 =	vor.u32 $0x380, v49  }
0x131: {  	v15 =	vadd.f32 v13, v15;
	v61 =	vld.idx.msk [tilespmem:v31+s9+$0x0], $0xffff;
	v16 =	vmul.f32 v30, v21;
	v37 =	vmul.f32 v63, v19  }
0x132: {  	v32 =	vadd.f32 v5, v6;
	v5 =	vadd.f32 v33, v10;
	v6 =	vor.u32 $0x380, v52;
	v52 =	vld [tilespmem:$0x1FE80]  }
0x133: {  	v51 =	vor.u32 $0x380, v51;
	v10 =	vadd.f32 v16, v15;
	v15 =	vadd.f32 v37, v35;
	v35 =	vld [tilespmem:$0x1FE70]  }
0x134: {  	v43 =	vor.u32 $0x300, v56;
	v56 =	vld.idx.msk [tilespmem:v58+s9+$0x0], $0xffff;
	v58 =	vor.u32 $0x380, v50  }
0x135: {  	v33 =	vld.idx.msk [tilespmem:v2+s9+$0x0], $0xffff  }
0x136: {  	v31 =	vor.u32 $0x300, v57;
	v2 =	vor.u32 $0x380, v53;
	v53 =	vld [tilespmem:$0x1FE90]  }
0x137: {  	v63 =	vld [tilespmem:$0x1FE60]  }
0x138: {  	v50 =	vld.idx.msk [tilespmem:v51+s9+$0x0], $0xffff  }
0x139: {  	v51 =	vld.idx.msk [tilespmem:v58+s9+$0x0], $0xffff  }
0x13a: {  	v37 =	vadd.s32 v55, v35;
	v58 =	vld [tilespmem:$0x1FEA0]  }
0x13b: {  	v57 =	vld.idx.msk [tilespmem:v31+s9+$0x0], $0xffff;
	v37 =	vor.u32 v53, v37  }
0x13c: {  	v11 =	vmul.f32 v11, v20;
	v53 =	vld [tilespmem:$0x1FEB0];
	v31 =	vor.u32 $0x80, v37  }
0x13d: {  	v0 =	vmul.f32 v0, v24;
	v13 =	vor.u32 $0x380, v38;
	v30 =	vld.idx.msk [tilespmem:v43+s9+$0x0], $0xffff  }
0x13e: {  	v36 =	vor.u32 $0x380, v59;
	v43 =	vld.idx.msk [tilespmem:v34+s9+$0x0], $0xffff;
	v10 =	vadd.f32 v11, v10;
	v11 =	vor.u32 $0x100, v37  }
0x13f: {  	v7 =	vmul.f32 v7, v21;
	v15 =	vadd.f32 v0, v15;
	v59 =	vadd.s32 v55, v58;
	v58 =	vld [tilespmem:$0x1FEC0]  }
0x140: {  	v26 =	vmul.f32 v26, v20;
	v6 =	vld.idx.msk [tilespmem:v6+s9+$0x0], $0xffff;
	v16 =	vadd.s32 v55, v63;
	v63 =	vadd.s32 v55, v39  }
0x141: {  	v49 =	vor.u32 v52, v16;
	v7 =	vadd.f32 v7, v15;
	v31 =	vld.idx.msk [tilespmem:v31+s9+$0x0], $0xffff;
	v39 =	vor.u32 v53, v59  }
0x142: {  	v59 =	vadd.s32 v55, v45;
	v45 =	vld.idx.msk [tilespmem:v13+s9+$0x0], $0xffff;
	v13 =	vadd.s32 v55, v47;
	v47 =	vmul.f32 v54, v18  }
0x143: {  	v15 =	vmul.f32 v62, v17;
	v52 =	vor.u32 $0x80, v49;
	v11 =	vld.idx.msk [tilespmem:v11+s9+$0x0], $0xffff;
	v53 =	vor.u32 $0x80, v39  }
0x144: {  	v34 =	vor.u32 v44, v59;
	v10 =	vadd.f32 v47, v10;
	v35 =	vor.u32 v58, v63;
	v63 =	vld [tilespmem:$0x1FED0]  }
0x145: {  	v58 =	vld.idx.msk [tilespmem:v2+s9+$0x0], $0xffff;
	v2 =	vadd.s32 v55, v40;
	v40 =	vor.u32 v46, v13;
	v46 =	vor.u32 $0x80, v34  }
0x146: {  	v41 =	vmul.f32 v41, v18;
	v59 =	vld.idx.msk [tilespmem:v36+s9+$0x0], $0xffff  }
0x147: {  	v36 =	vld [tilespmem:$0x1FEE0];
	v10 =	vadd.f32 v15, v10;
	v15 =	vadd.f32 v26, v7;
	v26 =	vor.u32 $0x100, v39  }
0x148: {  	v42 =	vor.u32 v55, v42;
	v12 =	vmul.f32 v22, v12;
	v62 =	vmul.f32 v61, v19;
	v54 =	vld.idx.msk [tilespmem:v53+s9+$0x0], $0xffff  }
0x149: {  	v61 =	vmul.f32 v60, v14;
	v55 =	vor.u32 $0x80, v40;
	v38 =	vor.u32 v63, v2;
	v63 =	vld.idx.msk [tilespmem:v52+s9+$0x0], $0xffff  }
0x14a: {  	v29 =	vmul.f32 v29, v24;
	v12 =	vadd.f32 v62, v12;
	v62 =	vor.u32 $0x100, v35;
	v47 =	vld.idx.msk [tilespmem:v46+s9+$0x0], $0xffff  }
0x14b: {  	v46 =	vmul.f32 v22, v33;
	v33 =	vadd.f32 v61, v10;
	v10 =	vadd.f32 v41, v15;
	v15 =	vld.idx.msk [tilespmem:v37+s9+$0x0], $0xffff  }
0x14c: {  	v1 =	vmul.f32 v1, v14;
	v12 =	vadd.f32 v29, v12;
	v29 =	vld.idx.msk [tilespmem:v26+s9+$0x0], $0xffff  }
0x14d: {  	v36 =	vor.u32 v36, v42;
	v26 =	vmul.f32 v48, v20;
	v48 =	vld [tilespmem:$0x1FEF0]  }
0x14e: {  	v5 =	vadd.f32 v1, v5;
	v23 =	vmul.f32 v23, v21;
	v53 =	vor.u32 $0x80, v36;
	v1 =	vld.idx.msk [tilespmem:v55+s9+$0x0], $0xffff  }
0x14f: {  	v43 =	vmul.f32 v43, v19;
	v2 =	vor.u32 $0x80, v35;
	v55 =	vld.idx.msk [tilespmem:v49+s9+$0x0], $0xffff  }
0x150: {  	v9 =	vmul.f32 v9, v17;
	v12 =	vadd.f32 v23, v12;
	v60 =	vld.idx.msk [tilespmem:v62+s9+$0x0], $0xffff  }
0x151: {  	v23 =	vadd.f32 v43, v46;
	v43 =	vld.idx.msk [tilespmem:v39+s9+$0x0], $0xffff  }
0x152: {  	v44 =	vor.u32 $0x80, v38;
	v9 =	vadd.f32 v9, v10;
	v10 =	vadd.f32 v26, v12;
	v12 =	vld.idx.msk [tilespmem:v35+s9+$0x0], $0xffff  }
0x153: {  	v50 =	vmul.f32 v50, v24;
	v41 =	vor.u32 $0x100, v38;
	v7 =	vld.idx.msk [tilespmem:v53+s9+$0x0], $0xffff  }
0x154: {  	v3 =	vmul.f32 v3, v14;
	v6 =	vmul.f32 v6, v20;
	v0 =	vld.idx.msk [tilespmem:v2+s9+$0x0], $0xffff  }
0x155: {  	v62 =	vmul.f32 v51, v21;
	v16 =	vadd.f32 v50, v23;
	v2 =	vor.u32 $0x100, v49;
	v51 =	vld.idx.msk [tilespmem:v38+s9+$0x0], $0xffff  }
0x156: {  	v46 =	vor.u32 v48, v42;
	v42 =	vor.u32 $0x100, v40;
	v48 =	vor.u32 v25, v13;
	v13 =	vld.idx.msk [tilespmem:v40+s9+$0x0], $0xffff  }
0x157: {  	v15 =	vmul.f32 v15, v19;
	v52 =	vld.idx.msk [tilespmem:v44+s9+$0x0], $0xffff;
	v44 =	vor.u32 $0x100, v34;
	v23 =	vmul.f32 v22, v55  }
0x158: {  	v61 =	vmul.f32 v56, v18;
	v26 =	vor.u32 $0x100, v46;
	v41 =	vld.idx.msk [tilespmem:v41+s9+$0x0], $0xffff;
	v55 =	vor.u32 $0x180, v49  }
0x159: {  	v16 =	vadd.f32 v62, v16;
	v62 =	vld.idx.msk [tilespmem:v34+s9+$0x0], $0xffff;
	v56 =	vmul.f32 v43, v24;
	v15 =	vadd.f32 v15, v23  }
0x15a: {  	v10 =	vadd.f32 v61, v10;
	v61 =	vmul.f32 v57, v17;
	v43 =	vor.u32 $0x180, v37;
	v2 =	vld.idx.msk [tilespmem:v2+s9+$0x0], $0xffff  }
0x15b: {  	v12 =	vmul.f32 v12, v21;
	v23 =	vor.u32 $0x180, v39;
	v50 =	vld.idx.msk [tilespmem:v42+s9+$0x0], $0xffff;
	v15 =	vadd.f32 v56, v15  }
0x15c: {  	v31 =	vmul.f32 v31, v19;
	v10 =	vadd.f32 v61, v10;
	v6 =	vadd.f32 v6, v16;
	v53 =	vld.idx.msk [tilespmem:v44+s9+$0x0], $0xffff  }
0x15d: {  	v56 =	vor.u32 $0x180, v35;
	v57 =	vmul.f32 v51, v20;
	v44 =	vld.idx.msk [tilespmem:v26+s9+$0x0], $0xffff;
	v12 =	vadd.f32 v12, v15  }
0x15e: {  	v42 =	vadd.f32 v3, v9;
	v9 =	vor.u32 $0x200, v49;
	v51 =	vld.idx.msk [tilespmem:v55+s9+$0x0], $0xffff;
	v55 =	vor.u32 $0x180, v38  }
0x15f: {  	v26 =	vmul.f32 v30, v14;
	v62 =	vmul.f32 v62, v18;
	v16 =	vld.idx.msk [tilespmem:v43+s9+$0x0], $0xffff;
	v12 =	vadd.f32 v57, v12  }
0x160: {  	v25 =	vmul.f32 v22, v63;
	v61 =	vmul.f32 v58, v18;
	v30 =	vor.u32 $0x180, v48;
	v23 =	vld.idx.msk [tilespmem:v23+s9+$0x0], $0xffff  }
0x161: {  	v58 =	vor.u32 $0x180, v36;
	v26 =	vadd.f32 v26, v10;
	v10 =	vadd.f32 v62, v12;
	v12 =	vld.idx.msk [tilespmem:v46+s9+$0x0], $0xffff  }
0x162: {  	v43 =	vor.u32 $0x200, v37;
	v56 =	vld.idx.msk [tilespmem:v56+s9+$0x0], $0xffff  }
0x163: {  	v31 =	vadd.f32 v31, v25;
	v25 =	vor.u32 $0x200, v34;
	v9 =	vld.idx.msk [tilespmem:v9+s9+$0x0], $0xffff  }
0x164: {  	v13 =	vmul.f32 v13, v17;
	v15 =	vor.u32 $0x180, v34;
	v3 =	vld.idx.msk [tilespmem:v55+s9+$0x0], $0xffff  }
0x165: {  	v54 =	vmul.f32 v54, v24;
	v6 =	vadd.f32 v61, v6;
	v57 =	vor.u32 $0x200, v39;
	v61 =	vld.idx.msk [tilespmem:v30+s9+$0x0], $0xffff  }
0x166: {  	v55 =	vmul.f32 v59, v17;
	v30 =	vld.idx.msk [tilespmem:v58+s9+$0x0], $0xffff;
	v10 =	vadd.f32 v13, v10;
	v12 =	vmul.f32 v12, v14  }
0x167: {  	v62 =	vor.u32 $0x200, v35;
	v59 =	vor.u32 $0x200, v40;
	v58 =	vld.idx.msk [tilespmem:v43+s9+$0x0], $0xffff;
	v16 =	vmul.f32 v16, v19  }
0x168: {  	v43 =	vadd.f32 v12, v10;
	v12 =	vadd.f32 v54, v31;
	v31 =	vld.idx.msk [tilespmem:v25+s9+$0x0], $0xffff;
	v25 =	vmul.f32 v22, v51  }
0x169: {  	v11 =	vmul.f32 v11, v19;
	v2 =	vmul.f32 v22, v2;
	v15 =	vld.idx.msk [tilespmem:v15+s9+$0x0], $0xffff;
	v13 =	vor.u32 $0x200, v38  }
0x16a: {  	v45 =	vmul.f32 v45, v14;
	v6 =	vadd.f32 v55, v6;
	v16 =	vadd.f32 v16, v25;
	v25 =	vld [tilespmem:$0x1FF00]  }
0x16b: {  	v29 =	vmul.f32 v29, v24;
	v63 =	vor.u32 $0x200, v46;
	v2 =	vadd.f32 v11, v2;
	v57 =	vld.idx.msk [tilespmem:v57+s9+$0x0], $0xffff  }
0x16c: {  	v55 =	vmul.f32 v60, v21;
	v60 =	vor.u32 $0x280, v40;
	v45 =	vadd.f32 v45, v6;
	v6 =	vld.idx.msk [tilespmem:v62+s9+$0x0], $0xffff  }
0x16d: {  	s31 =	sadd.s32 s25, s19;
	v40 =	vor.u32 $0x300, v40;
	v59 =	vld.idx.msk [tilespmem:v59+s9+$0x0], $0xffff  }
0x16e: {  	s29 =	sadd.s32 s24, s31;
	v2 =	vadd.f32 v29, v2;
	v29 =	vor.u32 $0x280, v34;
	v11 =	vld.idx.msk [tilespmem:v13+s9+$0x0], $0xffff  }
0x16f: {  	[tilespmem:s29+$0x0] =	vst v25;
	v25 =	vld [tilespmem:$0x1FF10]  }
0x170: {  	v51 =	vld.idx.msk [tilespmem:v63+s9+$0x0], $0xffff  }
0x171: {  	v62 =	vor.u32 $0x280, v35;
	v60 =	vld.idx.msk [tilespmem:v60+s9+$0x0], $0xffff  }
0x172: {  	v0 =	vmul.f32 v0, v21;
	v10 =	vor.u32 $0x280, v49;
	v40 =	vld.idx.msk [tilespmem:v40+s9+$0x0], $0xffff  }
0x173: {  	v9 =	vmul.f32 v22, v9;
	v58 =	vmul.f32 v58, v19;
	v13 =	vor.u32 $0x280, v37;
	v29 =	vld.idx.msk [tilespmem:v29+s9+$0x0], $0xffff  }
0x174: {  	v52 =	vmul.f32 v52, v20;
	v0 =	vadd.f32 v0, v12;
	[tilespmem:s29+$0x80] =	vst v25;
	v25 =	vld [tilespmem:$0x1FF20]  }
0x175: {  	v54 =	vor.u32 $0x280, v39;
	v9 =	vadd.f32 v58, v9;
	v58 =	vld [tilespmem:$0x1FF70]  }
0x176: {  	v63 =	vor.u32 $0x300, v35;
	v35 =	vor.u32 $0x380, v35;
	v0 =	vadd.f32 v52, v0;
	v52 =	vld.idx.msk [tilespmem:v62+s9+$0x0], $0xffff  }
0x177: {  	v10 =	vld.idx.msk [tilespmem:v10+s9+$0x0], $0xffff  }
0x178: {  	v12 =	vor.u32 $0x280, v38;
	v13 =	vld.idx.msk [tilespmem:v13+s9+$0x0], $0xffff  }
0x179: {  	v23 =	vmul.f32 v23, v24;
	[tilespmem:s29+$0x100] =	vst v25;
	v25 =	vld [tilespmem:$0x1FF30]  }
0x17a: {  	v2 =	vadd.f32 v55, v2;
	v55 =	vor.u32 $0x300, v49;
	v54 =	vld.idx.msk [tilespmem:v54+s9+$0x0], $0xffff  }
0x17b: {  	v16 =	vadd.f32 v23, v16;
	v23 =	vmul.f32 v56, v21;
	v56 =	vor.u32 $0x280, v36;
	v35 =	vld.idx.msk [tilespmem:v35+s9+$0x0], $0xffff  }
0x17c: {  	v62 =	vor.u32 $0x300, v39;
	[tilespmem:s29+$0x380] =	vst v58;
	v58 =	vld [tilespmem:$0x1FFB0]  }
0x17d: {  	v3 =	vmul.f32 v3, v20;
	v16 =	vadd.f32 v23, v16;
	v12 =	vld.idx.msk [tilespmem:v12+s9+$0x0], $0xffff  }
0x17e: {  	v23 =	vmul.f32 v47, v18;
	[tilespmem:s29+$0x180] =	vst v25;
	v25 =	vld [tilespmem:$0x1FF40]  }
0x17f: {  	v41 =	vmul.f32 v41, v20;
	v3 =	vadd.f32 v3, v16;
	v16 =	vld.idx.msk [tilespmem:v55+s9+$0x0], $0xffff  }
0x180: {  	v0 =	vadd.f32 v23, v0;
	v23 =	vld.idx.msk [tilespmem:v56+s9+$0x0], $0xffff  }
0x181: {  	v2 =	vadd.f32 v41, v2;
	v41 =	vor.u32 $0x300, v38;
	v56 =	vmul.f32 v57, v24;
	v57 =	vld.idx.msk [tilespmem:v62+s9+$0x0], $0xffff  }
0x182: {  	v1 =	vmul.f32 v1, v17;
	v53 =	vmul.f32 v53, v18;
	v62 =	vld [tilespmem:$0x1FF80]  }
0x183: {  	v15 =	vmul.f32 v15, v18;
	[tilespmem:s29+$0x200] =	vst v25;
	v25 =	vld [tilespmem:$0x1FF50]  }
0x184: {  	v47 =	vor.u32 $0x300, v37;
	v0 =	vadd.f32 v1, v0;
	v1 =	vadd.f32 v53, v2;
	v2 =	vld.idx.msk [tilespmem:v63+s9+$0x0], $0xffff  }
0x185: {  	v46 =	vor.u32 $0x300, v46;
	v63 =	vld [tilespmem:$0x1FF90]  }
0x186: {  	v37 =	vor.u32 $0x380, v37;
	v3 =	vadd.f32 v15, v3;
	v15 =	vld.idx.msk [tilespmem:v41+s9+$0x0], $0xffff  }
0x187: {  	v55 =	vor.u32 $0x300, v34;
	v53 =	vld [tilespmem:$0x1FFA0]  }
0x188: {  	v7 =	vmul.f32 v7, v14;
	v49 =	vor.u32 $0x380, v49;
	[tilespmem:s29+$0x280] =	vst v25;
	v25 =	vld [tilespmem:$0x1FF60]  }
0x189: {  	v39 =	vor.u32 $0x380, v39;
	v47 =	vld.idx.msk [tilespmem:v47+s9+$0x0], $0xffff  }
0x18a: {  	v61 =	vmul.f32 v61, v17;
	v0 =	vadd.f32 v7, v0;
	v7 =	vld.idx.msk [tilespmem:v46+s9+$0x0], $0xffff  }
0x18b: {  	v6 =	vmul.f32 v6, v21;
	v10 =	vmul.f32 v22, v10;
	v9 =	vadd.f32 v56, v9;
	v46 =	vld.idx.msk [tilespmem:v37+s9+$0x0], $0xffff  }
0x18c: {  	s25 =	sadd.s32 s25, s20;
	v38 =	vor.u32 $0x380, v38;
	v13 =	vmul.f32 v13, v19;
	v56 =	vmul.f32 v50, v17;
	v50 =	vld.idx.msk [tilespmem:v55+s9+$0x0], $0xffff  }
0x18d: {  	s24 =	sadd.s32 s24, s25;
	v36 =	vor.u32 $0x380, v36;
	v11 =	vmul.f32 v11, v20;
	v6 =	vadd.f32 v6, v9;
	v9 =	vld.idx.msk [tilespmem:v49+s9+$0x0], $0xffff;
	[tilespmem:s29+$0x300] =	vst v25  }
0x18e: {  	v41 =	vor.u32 $0x380, v34;
	v3 =	vadd.f32 v61, v3;
	v10 =	vadd.f32 v13, v10;
	v55 =	vld.idx.msk [tilespmem:v39+s9+$0x0], $0xffff;
	[tilespmem:s24+$0x0] =	vst v62  }
0x18f: {  	v61 =	vmul.f32 v31, v18;
	v1 =	vadd.f32 v56, v1;
	v56 =	vmul.f32 v30, v14;
	[tilespmem:s24+$0x80] =	vst v63;
	v62 =	vld [tilespmem:$0x1FFC0]  }
0x190: {  	v12 =	vmul.f32 v12, v20;
	v49 =	vor.u32 $0x380, v48;
	v6 =	vadd.f32 v11, v6;
	[tilespmem:s24+$0x100] =	vst v53;
	v63 =	vld [tilespmem:$0x1FFD0]  }
0x191: {  	v3 =	vadd.f32 v56, v3;
	v2 =	vmul.f32 v2, v21;
	v39 =	vmul.f32 v47, v19;
	[tilespmem:s24+$0x180] =	vst v58  }
0x192: {  	v47 =	vmul.f32 v57, v24;
	v6 =	vadd.f32 v61, v6;
	v61 =	vmul.f32 v23, v14;
	[tilespmem:s24+$0x300] =	vst v28  }
0x193: {  	v9 =	vmul.f32 v22, v9;
	v48 =	vmul.f32 v55, v24;
	v25 =	vld.idx.msk [tilespmem:v41+s9+$0x0], $0xffff;
	[tilespmem:s24+$0x380] =	vst v27  }
0x194: {  	v53 =	vmul.f32 v44, v14;
	[tilespmem:s24+$0x200] =	vst v62;
	v62 =	vld.idx.msk [tilespmem:v38+s9+$0x0], $0xffff;
	v38 =	vmul.f32 v22, v16  }
0x195: {  	s30 =	sadd.s32 s26, s31;
	v41 =	vld.idx.msk [tilespmem:v49+s9+$0x0], $0xffff;
	v58 =	vmul.f32 v54, v24;
	v44 =	vmul.f32 v46, v19;
	[tilespmem:s24+$0x280] =	vst v63  }
0x196: {  	v46 =	vld.idx.msk [tilespmem:v36+s9+$0x0], $0xffff;
	v54 =	vmul.f32 v35, v21;
	[tilespmem:s30+$0x0] =	vst v4;
	v11 =	vadd.f32 v39, v38  }
0x197: {  	v10 =	vadd.f32 v58, v10;
	v9 =	vadd.f32 v44, v9;
	v63 =	vmul.f32 v52, v21;
	[tilespmem:s30+$0x80] =	vst v8  }
0x198: {  	v1 =	vadd.f32 v53, v1;
	v53 =	vmul.f32 v29, v18;
	[tilespmem:s30+$0x100] =	vst v32;
	v52 =	vadd.f32 v47, v11  }
0x199: {  	v58 =	vmul.f32 v60, v17;
	v9 =	vadd.f32 v48, v9;
	[tilespmem:s30+$0x180] =	vst v5;
	v10 =	vadd.f32 v63, v10  }
0x19a: {  	v60 =	vmul.f32 v25, v18;
	v5 =	vmul.f32 v15, v20;
	[tilespmem:s30+$0x200] =	vst v33;
	v2 =	vadd.f32 v2, v52  }
0x19b: {  	[tilespmem:s30+$0x280] =	vst v42;
	v56 =	vadd.f32 v54, v9;
	v49 =	vadd.f32 v12, v10;
	v57 =	vmul.f32 v62, v20  }
0x19c: {  	v4 =	vmul.f32 v59, v17;
	[tilespmem:s30+$0x300] =	vst v26;
	v2 =	vadd.f32 v5, v2;
	v5 =	vmul.f32 v50, v18  }
0x19d: {  	s31 =	sadd.s32 s26, s25;
	v59 =	vmul.f32 v51, v14;
	[tilespmem:s30+$0x380] =	vst v45;
	v55 =	vadd.f32 v53, v49;
	v8 =	vadd.f32 v57, v56  }
0x19e: {  	[tilespmem:s31+$0x0] =	vst v43;
	v4 =	vadd.f32 v4, v6;
	v2 =	vadd.f32 v5, v2;
	v5 =	vmul.f32 v40, v17  }
0x19f: {  	s21 =	sadd.s32 $0x2, s21;
	[tilespmem:s31+$0x80] =	vst v0;
	v62 =	vmul.f32 v41, v17;
	v6 =	vadd.f32 v58, v55;
	v8 =	vadd.f32 v60, v8  }
0x1a0: {  	p1 =	slt.u32 s21, $0xE;
	[tilespmem:s31+$0x100] =	vst v1;
	v0 =	vadd.f32 v59, v4;
	v4 =	vmul.f32 v7, v14;
	v2 =	vadd.f32 v5, v2  }
.Ltmp0:
0x1a1: {  	[tilespmem:s31+$0x180] =	vst v3;
	v63 =	vmul.f32 v46, v14;
	v1 =	vadd.f32 v61, v6;
	v5 =	vadd.f32 v62, v8;
	(pc) =	sbr.rel @p1 .LBB2_5-.Ltmp0, $4  }
0x1a2: {  	[tilespmem:s31+$0x200] =	vst v0;
	v2 =	vadd.f32 v4, v2  }
0x1a3: {  	[tilespmem:s31+$0x280] =	vst v1;
	v0 =	vadd.f32 v63, v5  }
0x1a4: {  	[tilespmem:s31+$0x300] =	vst v2  }
0x1a5: {  	s23 =	sadd.s32 $0x100, s23;
	s22 =	sadd.s32 $0x20, s22;
	v3 =	vimm.s32 $0x1;
	[tilespmem:s31+$0x380] =	vst v0  }
0x1a6: {  	s17 =	sadd.s32 $0x1, s17  }
0x1a7: {  	p1 =	sne.s32 s17, $0x8  }
.Ltmp1:
0x1a8: {  	_ = 	snop;
	(pc) =	sbr.rel @p1 .LBB2_4-.Ltmp1, $1  }
0x1a9: {  	_ =	sdelay $0x3  }
.Ltmp2:
0x1aa: {  	s15 =	sadd.s32 s5, s16;
	(pc) =	sbr.rel @p0 .LBB2_3-.Ltmp2, $4  }
0x1ab: {  	[hbm4b:s15+s3] =	stream.linear.scatter [tilespmem:s10], [sflag:$0x1], $0x8000, $0x38;
	[tilespmem:$0x18000] =	vst v63  }
0x1ac: {  	_ =	swait.ge [sflag:s8], $0x8000  }
0x1ad: {  	[sflag:s8] =	ssyncset.done $0x0  }
0x1ae: {  	p1 =	por $0x0, $0x0;
	s15 =	simm.s32 $0x8;
	[sflag:s8] =	ssyncadd.s32 $0xFFFF8000  }
0x1af: {  	s12 =	sadd.s32 $0x1, s12  }
0x1b0: {  	p0 =	sne.s32 s12, $0x4  }
.Ltmp3:
0x1b1: {  	_ = 	snop;
	(pc) =	sbr.rel @p0 .LBB2_2-.Ltmp3, $1  }
0x1b2: {  	_ =	sdelay $0x3  }
0x1b3: {  	s11 =	sadd.s32 $0x1, s11  }
0x1b4: {  	p0 =	sne.s32 s11, s7  }
.Ltmp4:
0x1b5: {  	_ = 	snop;
	(pc) =	sbr.rel @p0 .LBB2_1-.Ltmp4, $1  }
0x1b6: {  	_ =	sdelay $0x3  }
0x1b7: {  	_ =	sfence.sel $0x180000  }
0x1b8: {  	[bflag:$0x0] =	sbarrier.arrive $0xFFFF  }
0x1b9: {  	p0 =	sne.s32 s4, $0x0;
	_ =	strace $0x90000047  }
0x1ba: {  	s0 =	sadd.s32 @!p0 $0x100000, s0;
	[bflag:$0x2] =	sbarrier.arrive $0xFFFF  }
0x1bb: {  	[sflag:s0] =	ssyncadd.tile.s32 @!p0 $0x1;
	_ =	shalt  }
.Lfunc_end2:
_tile_overlayer_lowered:
.L_overlay_start_2:
0x1bc: {  	(tag) =	ssettag $0x2  }
0x1bd: {  	s0 =	rddreg [dreg:$0x0];
	s2 =	stileid.u32  }
0x1be: {  	s1 =	rddreg [dreg:$0x1];
	p0 =	sne.s32 s2, $0x0  }
0x1bf: {  	s3 =	rddreg [dreg:$0x2];
	[bflag:$0x3] =	sbarrier.arrive $0xFFFF;
	s2 =	simm.s32 @!p0 $0x1C01  }
0x1c0: {  	[timem:s3], [sflag:s2] =	dma.local @!p0 [hbm:s0], s1  }
0x1c1: {  	s0 =	simm.s32 @!p0 $0x1  }
0x1c2: {  	_ =	swait.ge @!p0 [sflag:s0], s1  }
0x1c3: {  	s1 =	ssub.s32 @!p0 $0x0, s1;
	[sflag:s0] =	ssyncset.done @!p0 $0x0  }
0x1c4: {  	[sflag:s0] =	ssyncadd.s32 @!p0 s1  }
0x1c5: {  	[bflag:$0x3] =	sbarrier.arrive $0xFFFF  }
0x1c6: {  	_ =	shalt  }

// kernel: sparse-core-data-format-call.cloned.1.call-start
scs
called_computation_lowered:
.L_overlay_start_0:
0x0: {  	s2 =	sld [smem:$0x3FD9]  }
0x1: {  	s3 =	sld [smem:$0x3FFE];
	_ =	sdelay $0x1  }
0x2: {  	s1 =	srdreg.scid  }
0x3: {  	s0 =	sand.u32 $0x1, s1  }
0x4: {  	s18 =	sshll.u32 s0, $0xA;
	s2 =	sadd.s32 s3, s2  }
0x5: {  	s2 =	sadd.s32 s2, s18  }
0x6: {  	[smem:$0x3FC6] =	sst s2  }
0x7: {  	_ = 	snop  }
0x8: {  	s2 =	sld [smem:$0x3FD0];
	(tm) =	ssettm $0x1  }
0x9: {  	s19 =	sld [smem:$0x3FFB];
	_ =	sdelay $0x3  }
0xa: {  	_ =	strace s19  }
0xb: {  	s3 =	sld [smem:$0x3FFC];
	_ =	sdelay $0x3  }
0xc: {  	_ =	strace s3  }
0xd: {  	s3 =	sld [smem:$0x3FFD];
	_ =	sdelay $0x3  }
0xe: {  	_ =	strace s3  }
0xf: {  	_ =	strace $0x8FFFFFFF  }
0x10: {  	s20 =	sld [smem:$0x3FDB];
	_ =	sdelay $0x1  }
0x11: {  	s4 =	simm.s32 $_scs_section_size  }
0x12: {  	s5 =	simm.s32 $_size__tile_overlayer_lowered;
	s6 =	simm.s32 $_tile_overlayer_lowered  }
0x13: {  	s23 =	simm.s32 $0x1BFF;
	s22 =	sshll.u32 s6, $0x1;
	s3 =	sadd.s32 s4, s20  }
0x14: {  	s7 =	simm.s32 $0x0;
	s21 =	sshll.u32 s5, $0x1;
	s5 =	sadd.s32 s22, s3  }
0x15: {  	[timem:s7], [sflag:s23] =	dma.local [hbm:s5], s21  }
0x16: {  	_ =	swait.ge [sflag:s23], s21  }
0x17: {  	s4 =	ssub.s32 $0x0, s21;
	[sflag:s23] =	ssyncset.done $0x0  }
0x18: {  	[sflag:s23] =	ssyncadd.s32 s4;
	_ =	sdelay $0x1  }
0x19: {  	s24 =	simm.s32 $0x1B8B  }
0x1a: {  	_ =	swait.ge [sflag:s24], $0x1  }
0x1b: {  	[sflag:s24] =	ssyncset.done $0x0  }
0x1c: {  	s26 =	simm.s32 $0x1B8E;
	s25 =	sld [smem:$0x3FFE];
	[sflag:s24] =	ssyncadd.s32 $0xFFFFFFFF  }
0x1d: {  	s27 =	simm.s32 $execute0_lowered;
	[smem:$0x3FD2] =	sst s26  }
0x1e: {  	s5 =	sshll.u32 s27, $0x1;
	_ =	strace $0x80000049;
	[dreg:$0x1] =	wrdreg $0xFFFFFFFF  }
0x1f: {  	s28 =	simm.s32 $_size_execute0_lowered;
	s3 =	sadd.s32 s3, s5;
	[dreg:$0x0] =	wrdreg $0x0  }
0x20: {  	s5 =	sshll.u32 s28, $0x1;
	[dreg:$0x2] =	wrdreg s3  }
0x21: {  	[dreg:$0x3] =	wrdreg s5  }
0x22: {  	[dreg:$0x4] =	wrdreg $0xC0  }
0x23: {  	_ =	task [dreg:s7], $0x5FFFF  }
0x24: {  	[dreg:$0x1] =	wrdreg $0xFFFFFFFF  }
0x25: {  	[dreg:$0x0] =	wrdreg $0x60  }
0x26: {  	[dreg:$0x2] =	wrdreg s25  }
0x27: {  	[dreg:$0x3] =	wrdreg s2  }
0x28: {  	[dreg:$0x4] =	wrdreg $0x9  }
0x29: {  	_ =	task.clear_ibuf [dreg:s7], $0x5FFFF;
	_ =	strace $0x90000049  }
0x2a: {  	s29 =	simm.s32 $0x9;
	_ =	strace $0x8000004B  }
0x2b: {  	_ =	swait.ge [sflag:s29], $0x1  }
0x2c: {  	[sflag:s29] =	ssyncadd.s32 $0xFFFFFFFF  }
0x2d: {  	_ =	strace $0x9000004B  }
0x2e: {  	_ =	sfence  }
0x2f: {  	s30 =	sld [smem:$0x0];
	_ =	sdelay $0x2  }
0x30: {  	s31 =	sshll.u32 s1, $0xD;
	s1 =	sshrl.u32 s1, $0x2  }
0x31: {  	s3 =	sand.u32 $0x4000, s31;
	s1 =	sadd.s32 s1, s30  }
0x32: {  	s0 =	sor.u32 s3, s0;
	s1 =	sshll.u32 s1, $0x11  }
0x33: {  	s0 =	sor.u32 s1, s0  }
0x34: {  	s0 =	sadd.s32 $0x8F2B, s0  }
0x35: {  	[sflag:s0] =	ssyncadd.remote.s32 $0x1  }
0x36: {  	_ =	sfence.sel $0xFFFF  }
0x37: {  	[dreg:$0x0] =	wrdreg $0xFFFFFFFF;
	(pc) =	sbr.abs _section_cstart, $3  }
0x38: {  	[dreg:$0x1] =	wrdreg $0xFFFFFFFF  }
0x39: {  	_ =	task.clear_ibuf [dreg:s7], $0x2FFFF;
	_ =	strace $0x9FFFFFFF  }
0x3a: {  	(tm) =	ssettm $0x7FFFFFFF  }
0x3b: {  	_ =	shalt  }
tec
execute0_lowered:
.L_overlay_start_1:
0x0: {  	(tag) =	ssettag $0x1  }
0x1: {  	s6 =	rddreg [dreg:$0x0]  }
0x2: {  	s0 =	stileid.u32;
	s2 =	rddreg [dreg:$0x1]  }
0x3: {  	s1 =	rddreg [dreg:$0x2];
	s4 =	srdreg.scid;
	_ =	strace $0x8000004A  }
0x4: {  	s31 =	simm.s32 $0x2;
	s14 =	simm.s32 $0x0;
	s16 =	simm.s32 $0x0  }
0x5: {  	s15 =	simm.s32 $0x0;
	s13 =	simm.s32 $0x0;
	s3 =	sshll.u32 s0, $0x7  }
0x6: {  	s4 =	sand.u32 $0x1, s4;
	s6 =	sadd.s32 $0x800, s6;
	s5 =	ssub.s32 $0x800, s3  }
0x7: {  	s8 =	ssub.s32 $0x10, s4;
	s11 =	smov.u32 s4;
	s7 =	sand.u32 $0x780, s5  }
0x8: {  	s9 =	sshrl.u32 s5, $0xB;
	p0 =	sne.s32 s7, $0x0;
	s7 =	simm.s32 $0x1  }
.Ltmp0:
0x9: {  	s10 =	sshrl.u32 s8, $0x1;
	s7 =	simm.s32 @!p0 $0x0;
	(pc) =	sbr.rel .LBB1_1-.Ltmp0, $4  }
0xa: {  	s5 =	simm.s32 $0x1;
	s8 =	ssub.s32 s8, s10;
	s7 =	sadd.s32 s7, s9  }
0xb: {  	s12 =	smov.u32 s3;
	[sflag:s5] =	ssyncpa.u1 $0x0;
	s8 =	smul.u32 s7, s8  }
0xc: {  	s10 =	simm.s32 $0x0;
	[sflag:s31] =	ssyncpa.u1 $0x0;
	p0 =	por $0x0, $0x0  }
0xd: {  	s9 =	simm.s32 $0x8000;
	s7 =	sshll.u32 s8, $0x1;
	s8 =	sshllo.u32 s8, $0x1  }
.LBB1_4:
0xe: {  	v5 =	vld [tilespmem:s19+$0xFFFFFFD0];
	[tilespmem:s20+$0x2040 ss:$0x81] =	vst.msk $0xffff, v1  }
0xf: {  	v58 =	vld [tilespmem:s19+$0xFFFFFFE0];
	[tilespmem:s20+$0x2850 ss:$0x81] =	vst.msk $0xffff, v2  }
0x10: {  	s21 =	sshra.s32 s21, $0x2;
	v59 =	vld [tilespmem:s19+$0xFFFFFFF0];
	[tilespmem:s20+$0x3060 ss:$0x81] =	vst.msk $0xffff, v3  }
0x11: {  	v60 =	vld [tilespmem:s19+$0x0];
	[tilespmem:s20+$0x0 ss:$0x81] =	vst.msk $0xffff, v0;
	s18 =	sadd.s32 s21, s18  }
0x12: {  	v61 =	vld [tilespmem:s19+$0x10];
	s26 =	sshll.u32 s16, $0xB;
	[tilespmem:s18+$0x3870 ss:$0x81] =	vst.msk $0xffff, v4  }
0x13: {  	v62 =	vld [tilespmem:s19+$0x20];
	s27 =	sand.u32 $0x78, s15;
	s22 =	sshll.u32 s15, $0x3;
	s29 =	sshll.u32 s16, $0x7;
	[tilespmem:s18+$0x810 ss:$0x81] =	vst.msk $0xffff, v5  }
0x14: {  	v63 =	vld [tilespmem:s19+$0xFFFFFFC0];
	s14 =	sshll.u32 s14, $0xC;
	s20 =	sand.u32 $0x4000, s26;
	s28 =	sand.u32 $0x7C00, s22;
	[tilespmem:s18+$0x1020 ss:$0x81] =	vst.msk $0xffff, v58  }
0x15: {  	s31 =	sand.u32 $0x7, s15;
	s22 =	sand.u32 $0x400, s22;
	s19 =	sadd.s32 s28, s20;
	[tilespmem:s18+$0x1830 ss:$0x81] =	vst.msk $0xffff, v59  }
0x16: {  	s16 =	sand.u32 $0x380, s29;
	s30 =	sor.u32 s27, s22;
	s19 =	sshrl.u32 s19, $0x3;
	[tilespmem:s18+$0x2040 ss:$0x81] =	vst.msk $0xffff, v60  }
0x17: {  	s14 =	sadd.s32 s2, s14;
	s16 =	sor.u32 s16, s30;
	s19 =	sand.u32 $0xF00, s19;
	[tilespmem:s18+$0x2850 ss:$0x81] =	vst.msk $0xffff, v61  }
0x18: {  	s15 =	sshll.u32 s31, $0x12;
	s16 =	sshrl.u32 s16, $0x3;
	[tilespmem:s18+$0x3060 ss:$0x81] =	vst.msk $0xffff, v62;
	s14 =	sadd.s32 s19, s14  }
0x19: {  	s15 =	sor.u32 $0x80, s15;
	[tilespmem:s18+$0x0 ss:$0x81] =	vst.msk $0xffff, v63;
	s14 =	sadd.s32 s16, s14  }
0x1a: {  	[hbm4b:s14+s15] =	stream.strided.scatter [tilespmem:s17], [sflag:$0x2], $0x4000, s9, s15, $0x20;
	[tilespmem:$0x10100] =	vst v63  }
.LBB1_5:
0x1b: {  	s17 =	sadd.s32 $0x80, s10  }
0x1c: {  	s14 =	sadd.s32 $0x2, s11;
	s18 =	smov.u32 s11;
	p2 =	sgt.s32 s17, $0xFF  }
0x1d: {  	s18 =	smov.u32 @p2 s14  }
0x1e: {  	s20 =	smov.u32 s12;
	s14 =	sadd.s32 $0x800, s12;
	p3 =	sgt.s32 s18, $0xF  }
0x1f: {  	s20 =	smov.u32 @p3 s14  }
0x20: {  	s17 =	simm.s32 @p2 $0x0;
	p2 =	sgt.s32 s20, $0x7FF  }
0x21: {  	p1 =	slt.u32 s13, $0x2;
	s20 =	smov.u32 @p2 s3;
	p2 =	sne.s32 s13, s8  }
.Ltmp1:
0x22: {  	s19 =	simm.s32 @!p1 $0x2;
	(pc) =	sbr.rel @!p2 .LBB1_6-.Ltmp1, $4  }
0x23: {  	s16 =	smov.u32 s11;
	s15 =	smov.u32 s12;
	_ =	swait.ge @!p1 [sflag:s19], $0x4000  }
0x24: {  	p0 =	por !p0, !p0;
	[sflag:s19] =	ssyncset.done @!p1 $0x0;
	s18 =	smov.u32 @p3 s4  }
0x25: {  	s14 =	smov.u32 s10;
	[sflag:s19] =	ssyncadd.s32 @!p1 $0xFFFFC000;
	s10 =	smov.u32 s17  }
0x26: {  	s11 =	smov.u32 s18;
	s13 =	sadd.s32 $0x1, s13;
	s12 =	smov.u32 s20  }
.LBB1_1:
0x27: {  	p1 =	sge.u32 s13, s7  }
0x28: {  	s31 =	sadd.s32 $0xFFFFFFFF, s13;
	s17 =	sxor.u32 @!p1 $0xFFFFFFFF, s13  }
0x29: {  	s18 =	sshll.u32 @!p1 s11, $0x8;
	s19 =	sshll.u32 @!p1 s10, $0x3;
	s20 =	sshll.u32 @!p1 s11, $0x7  }
0x2a: {  	s21 =	sand.u32 @!p1 $0x78, s10;
	s18 =	sand.u32 @!p1 $0x800, s18;
	s19 =	sand.u32 @!p1 $0xC00, s19  }
0x2b: {  	s17 =	sshll.u32 @!p1 s17, $0xE;
	s18 =	sadd.s32 @!p1 s18, s19;
	s19 =	sand.u32 @!p1 $0x300, s20  }
0x2c: {  	s17 =	sand.u32 @!p1 $0x4000, s17;
	s18 =	sor.u32 @!p1 s19, s18;
	s19 =	sand.u32 @!p1 $0x80, s20  }
0x2d: {  	s20 =	sshll.u32 @!p1 s12, $0x9;
	s19 =	sor.u32 @!p1 s21, s19;
	s18 =	sshrl.u32 @!p1 s18, $0x3  }
0x2e: {  	s20 =	sadd.s32 @!p1 s6, s20;
	s21 =	sand.u32 @!p1 $0x7, s10;
	s19 =	sshrl.u32 @!p1 s19, $0x3  }
0x2f: {  	s18 =	sand.u32 @!p1 $0x1E0, s18;
	s19 =	sadd.s32 @!p1 s19, s20;
	s20 =	sshll.u32 @!p1 s21, $0x12  }
0x30: {  	s18 =	sadd.s32 @!p1 s18, s19;
	s19 =	sor.u32 @!p1 $0x80, s20;
	s20 =	simm.s32 @!p1 $0x1000  }
0x31: {  	[tilespmem:s17], [sflag:$0x1] =	stream.strided.gather @!p1 [hbm4b:s18+s19], $0x4000, s20, s19, $0x38;
	[tilespmem:$0x10100] =	vst v63  }
0x32: {  	p1 =	sge.u32 s31, s7  }
.Ltmp2:
0x33: {  	_ = 	snop;
	(pc) =	sbr.rel @p1 .LBB1_5-.Ltmp2, $1  }
0x34: {  	_ =	sdelay $0x3  }
0x35: {  	s17 =	simm.s32 $0x1  }
0x36: {  	_ =	swait.ge [sflag:s5], $0x4000;
	s17 =	simm.s32 @!p0 $0x0  }
0x37: {  	[sflag:s5] =	ssyncset.done $0x0;
	s18 =	sshll.u32 s17, $0xE  }
0x38: {  	[sflag:s5] =	ssyncadd.s32 $0xFFFFC000;
	s19 =	sor.u32 $0x40, s18  }
0x39: {  	s17 =	smul.u32 $0x10200, s17;
	v0 =	vld [tilespmem:s19+$0x30]  }
0x3a: {  	v3 =	vld [tilespmem:s19+$0xFFFFFFD0]  }
0x3b: {  	s17 =	sshrl.u32 s17, $0x2;
	v4 =	vld [tilespmem:s19+$0xFFFFFFE0]  }
0x3c: {  	v5 =	vld [tilespmem:s19+$0xFFFFFFF0];
	s18 =	sor.u32 $0x8000, s17  }
0x3d: {  	s31 =	sand.u32 $0x1, s13;
	v1 =	vld [tilespmem:s19+$0x0];
	s20 =	sadd.s32 $0x0, s18  }
0x3e: {  	v2 =	vld [tilespmem:s19+$0x10];
	s17 =	smul.u32 $0x10200, s31;
	[tilespmem:s20+$0x3870 ss:$0x81] =	vst.msk $0xffff, v0  }
0x3f: {  	[tilespmem:s20+$0x810 ss:$0x81] =	vst.msk $0xffff, v3;
	v3 =	vld [tilespmem:s19+$0x20]  }
0x40: {  	s17 =	sshrl.u32 s17, $0x2;
	v0 =	vld [tilespmem:s19+$0xFFFFFFC0];
	[tilespmem:s20+$0x1020 ss:$0x81] =	vst.msk $0xffff, v4;
	s19 =	sadd.s32 $0x80, s19  }
0x41: {  	s21 =	simm.s32 $0x4;
	s22 =	simm.s32 $0x8;
	s17 =	sor.u32 $0x8000, s17;
	[tilespmem:s20+$0x1830 ss:$0x81] =	vst.msk $0xffff, v5;
	v4 =	vld [tilespmem:s19+$0x30]  }
.LBB1_3:
0x42: {  	p1 =	sne.s32 s22, $0x1FC;
	v5 =	vld [tilespmem:s19+$0xFFFFFFD0];
	[tilespmem:s20+$0x2040 ss:$0x81] =	vst.msk $0xffff, v1  }
0x43: {  	v6 =	vld [tilespmem:s19+$0xFFFFFFE0];
	[tilespmem:s20+$0x2850 ss:$0x81] =	vst.msk $0xffff, v2  }
0x44: {  	s23 =	sshra.s32 s21, $0x2;
	s21 =	smov.u32 s22;
	v7 =	vld [tilespmem:s19+$0xFFFFFFF0];
	[tilespmem:s20+$0x3060 ss:$0x81] =	vst.msk $0xffff, v3  }
.Ltmp3:
0x45: {  	v1 =	vld [tilespmem:s19+$0x0];
	[tilespmem:s20+$0x0 ss:$0x81] =	vst.msk $0xffff, v0;
	s20 =	sadd.s32 s23, s18;
	(pc) =	sbr.rel @p1 .LBB1_3-.Ltmp3, $4  }
0x46: {  	v2 =	vld [tilespmem:s19+$0x10];
	[tilespmem:s20+$0x3870 ss:$0x81] =	vst.msk $0xffff, v4  }
0x47: {  	[tilespmem:s20+$0x810 ss:$0x81] =	vst.msk $0xffff, v5;
	v3 =	vld [tilespmem:s19+$0x20]  }
0x48: {  	v0 =	vld [tilespmem:s19+$0xFFFFFFC0];
	[tilespmem:s20+$0x1020 ss:$0x81] =	vst.msk $0xffff, v6;
	s19 =	sadd.s32 $0x80, s19  }
0x49: {  	s22 =	sadd.s32 $0x4, s22;
	v4 =	vld [tilespmem:s19+$0x30];
	[tilespmem:s20+$0x1830 ss:$0x81] =	vst.msk $0xffff, v7  }
.Ltmp4:
0x4a: {  	_ = 	snop;
	(pc) =	sbr.rel .LBB1_4-.Ltmp4, $1  }
0x4b: {  	_ =	sdelay $0x3  }
.LBB1_6:
0x4c: {  	_ =	sfence.sel $0x180000  }
0x4d: {  	s2 =	simm.s32 $0x1;
	[bflag:$0x0] =	sbarrier.arrive $0xFFFF  }
0x4e: {  	s31 =	simm.s32 $0x2;
	[sflag:s2] =	ssyncpa.u1 $0x1  }
0x4f: {  	[sflag:s31] =	ssyncpa.u1 $0x1  }
0x50: {  	p0 =	sne.s32 s0, $0x0;
	_ =	strace $0x9000004A  }
0x51: {  	s0 =	sadd.s32 @!p0 $0x100000, s1;
	[bflag:$0x2] =	sbarrier.arrive $0xFFFF  }
0x52: {  	[sflag:s0] =	ssyncadd.tile.s32 @!p0 $0x1;
	_ =	shalt  }
.Lfunc_end1:
_tile_overlayer_lowered:
.L_overlay_start_2:
0x53: {  	(tag) =	ssettag $0x2  }
0x54: {  	s0 =	rddreg [dreg:$0x0];
	s2 =	stileid.u32  }
0x55: {  	s1 =	rddreg [dreg:$0x1];
	p0 =	sne.s32 s2, $0x0  }
0x56: {  	s3 =	rddreg [dreg:$0x2];
	[bflag:$0x3] =	sbarrier.arrive $0xFFFF;
	s2 =	simm.s32 @!p0 $0x1C01  }
0x57: {  	[timem:s3], [sflag:s2] =	dma.local @!p0 [hbm:s0], s1  }
0x58: {  	s0 =	simm.s32 @!p0 $0x1  }
0x59: {  	_ =	swait.ge @!p0 [sflag:s0], s1  }
0x5a: {  	s1 =	ssub.s32 @!p0 $0x0, s1;
	[sflag:s0] =	ssyncset.done @!p0 $0x0  }
0x5b: {  	[sflag:s0] =	ssyncadd.s32 @!p0 s1  }
0x5c: {  	[bflag:$0x3] =	sbarrier.arrive $0xFFFF  }
0x5d: {  	_ =	shalt  }

</sc_bundles>
